<compile_context>
chip_gen: v7x
topology: tpu7x:2x2x1
jax: 0.10.2.dev20260603
libtpu: 0.0.44.dev20260713+nightly
codegen_flags: <defaults>
</compile_context>

<pallas_src>
import functools

import jax
import jax.numpy as jnp
from jax import lax
from jax.experimental import pallas as pl
from jax.experimental.pallas import tpu as pltpu
from jax.experimental.pallas import tpu_sc as plsc

N = 10000
E = 320000
D = 128
NC = 2
NS = 16
NW = NC * NS
CH = 128
EPT = 10240
NCHUNK = EPT // CH
EPAD = NW * EPT
NPAD = 10240
ROWS_INIT = NPAD // NS
EPS = 1e-5


def _sc_agg_body(hn, tc, srcs, aidx, dsts, zeros, out,
                 agg_sh, src_v, a_v, dst_v, msg_v, sem):
    cid = lax.axis_index("c")
    sid = lax.axis_index("s")
    wid = cid * NS + sid

    pltpu.sync_copy(zeros, msg_v)

    def zinit(t, carry):
        pltpu.sync_copy(msg_v, agg_sh.at[pl.ds(sid * ROWS_INIT + t * CH, CH)])
        return carry

    lax.fori_loop(0, ROWS_INIT // CH, zinit, 0)

    pltpu.sync_copy(srcs.at[wid], src_v)
    pltpu.sync_copy(aidx.at[wid], a_v)
    pltpu.sync_copy(dsts.at[wid], dst_v)
    plsc.subcore_barrier()

    def chunk(j, carry):
        pltpu.async_copy(tc.at[a_v.at[j]], msg_v, sem).wait()
        pltpu.async_copy(hn.at[src_v.at[j]], msg_v, sem, add=True).wait()

        def relu_row(r, c2):
            for k in range(D // 16):
                s = (r, pl.ds(k * 16, 16))
                msg_v[s] = jnp.maximum(msg_v[s], 0.0)
            return c2

        lax.fori_loop(0, CH, relu_row, 0)
        pltpu.sync_copy(msg_v, agg_sh.at[dst_v.at[j]], add=True)
        return carry

    lax.fori_loop(0, NCHUNK, chunk, 0)
    plsc.subcore_barrier()

    def cout(t, carry):
        base = sid * ROWS_INIT + t * CH
        pltpu.sync_copy(agg_sh.at[pl.ds(base, CH)], msg_v)
        pltpu.sync_copy(msg_v, out.at[pl.ds(cid * NPAD + base, CH)])
        return carry

    lax.fori_loop(0, ROWS_INIT // CH, cout, 0)


_sc_agg = functools.partial(
    pl.kernel,
    out_type=jax.ShapeDtypeStruct((NC * NPAD, D), jnp.float32),
    mesh=plsc.VectorSubcoreMesh(core_axis_name="c", subcore_axis_name="s",
                                num_cores=NC, num_subcores=NS),
    scratch_types=[
        pltpu.VMEM_SHARED((NPAD, D), jnp.float32),
        pltpu.VMEM((NCHUNK, CH), jnp.int32),
        pltpu.VMEM((NCHUNK, CH), jnp.int32),
        pltpu.VMEM((NCHUNK, CH), jnp.int32),
        pltpu.VMEM((CH, D), jnp.float32),
        pltpu.SemaphoreType.DMA,
    ],
)(_sc_agg_body)


def _bn_body(h_ref, g_ref, b_ref, o_ref):
    h = h_ref[...]
    m = jnp.mean(h, axis=0, keepdims=True)
    v = jnp.mean((h - m) ** 2, axis=0, keepdims=True)
    o_ref[...] = (h - m) * lax.rsqrt(v + EPS) * g_ref[...] + b_ref[...]


_bn = pl.pallas_call(
    _bn_body, out_shape=jax.ShapeDtypeStruct((N, D), jnp.float32))


def _mlp_body(hn_ref, p_ref, w1_ref, b1_ref, bng_ref, bnb_ref,
              w2_ref, b2_ref, lng_ref, lnb_ref, o_ref, *, last):
    t = hn_ref[...] + p_ref[0, :N] + p_ref[1, :N]
    y = jnp.dot(t, w1_ref[...], preferred_element_type=jnp.float32) + b1_ref[...]
    m = jnp.mean(y, axis=0, keepdims=True)
    v = jnp.mean((y - m) ** 2, axis=0, keepdims=True)
    y = (y - m) * lax.rsqrt(v + EPS) * bng_ref[...] + bnb_ref[...]
    y = jnp.maximum(y, 0.0)
    y = jnp.dot(y, w2_ref[...], preferred_element_type=jnp.float32) + b2_ref[...]
    if last:
        o_ref[...] = y
    else:
        h = jnp.maximum(y, 0.0)
        m2 = jnp.mean(h, axis=0, keepdims=True)
        v2 = jnp.mean((h - m2) ** 2, axis=0, keepdims=True)
        o_ref[...] = (h - m2) * lax.rsqrt(v2 + EPS) * lng_ref[...] + lnb_ref[...]


def _make_mlp(last):
    return pl.pallas_call(
        functools.partial(_mlp_body, last=last),
        out_shape=jax.ShapeDtypeStruct((N, D), jnp.float32))


_mlp_mid = _make_mlp(False)
_mlp_last = _make_mlp(True)


def kernel(x, edge_index, edge_attr, ln_gamma, ln_beta, W1, b1,
           bn_gamma, bn_beta, W2, b2, bond_emb):
    L = W1.shape[0]
    src = edge_index[0]
    dst = edge_index[1]
    a = edge_attr[:, 0] * 64 + edge_attr[:, 1] * 8 + edge_attr[:, 2]
    pad = EPAD - E
    srcp = jnp.concatenate([src, jnp.zeros((pad,), jnp.int32)]).reshape(NW, NCHUNK, CH)
    ap = jnp.concatenate([a, jnp.zeros((pad,), jnp.int32)]).reshape(NW, NCHUNK, CH)
    dstp = jnp.concatenate([dst, jnp.full((pad,), N, jnp.int32)]).reshape(NW, NCHUNK, CH)
    tc_all = (bond_emb[:, 0, :, None, None, :]
              + bond_emb[:, 1, None, :, None, :]
              + bond_emb[:, 2, None, None, :, :]).reshape(L, 512, D)
    zeros = jnp.zeros((CH, D), jnp.float32)
    g2 = ln_gamma.reshape(L, 1, D)
    b2_ = ln_beta.reshape(L, 1, D)
    bng2 = bn_gamma.reshape(L, 1, D)
    bnb2 = bn_beta.reshape(L, 1, D)
    b1r = b1.reshape(L, 1, D)
    b2r = b2.reshape(L, 1, D)

    hn = _bn(x, g2[0], b2_[0])
    for l in range(L):
        parts = _sc_agg(hn, tc_all[l], srcp, ap, dstp, zeros).reshape(2, NPAD, D)
        w1t = W1[l].T
        w2t = W2[l].T
        if l == L - 1:
            hn = _mlp_last(hn, parts, w1t, b1r[l], bng2[l], bnb2[l],
                           w2t, b2r[l], g2[l], b2_[l])
        else:
            hn = _mlp_mid(hn, parts, w1t, b1r[l], bng2[l], bnb2[l],
                          w2t, b2r[l], g2[l + 1], b2_[l + 1])
    return hn

# --- scband reference (transcript-rebuilt; emitter-appended) ---
"""Pipeline reference for scband-gin-22711787061584 (READ-ONLY COPY).

The authoritative reference and input builder live on the scoring server;
editing this copy changes nothing except your own understanding.
"""

import jax, jax.numpy as jnp
import numpy as np

N = 10000
E = 320000
D = 128
L = 3
BOND_VOCAB = 8


def _batchnorm(h, gamma, beta, eps=1e-5):
    mean = jnp.mean(h, axis=0, keepdims=True)
    var = jnp.var(h, axis=0, keepdims=True)
    return (h - mean) / jnp.sqrt(var + eps) * gamma + beta


def setup_inputs(seed: int = 0) -> dict:
    key = jax.random.key(seed)
    ks = jax.random.split(key, 8)
    x = jax.random.normal(ks[0], (N, D), dtype=jnp.float32)
    edge_index = jax.random.randint(ks[1], (2, E), 0, N, dtype=jnp.int32)
    edge_attr = jax.random.randint(ks[2], (E, 3), 0, 5, dtype=jnp.int32)
    ln_gamma = jnp.ones((L, D), dtype=jnp.float32)
    ln_beta = jnp.zeros((L, D), dtype=jnp.float32)
    W1 = jax.random.normal(ks[3], (L, D, D), dtype=jnp.float32) * 0.05
    b1 = jnp.zeros((L, D), dtype=jnp.float32)
    bn_gamma = jnp.ones((L, D), dtype=jnp.float32)
    bn_beta = jnp.zeros((L, D), dtype=jnp.float32)
    W2 = jax.random.normal(ks[4], (L, D, D), dtype=jnp.float32) * 0.05
    b2 = jnp.zeros((L, D), dtype=jnp.float32)
    bond_emb = jax.random.normal(ks[5], (L, 3, BOND_VOCAB, D), dtype=jnp.float32) * 0.05
    return {"x": x, "edge_index": edge_index, "edge_attr": edge_attr,
            "ln_gamma": ln_gamma, "ln_beta": ln_beta, "W1": W1, "b1": b1,
            "bn_gamma": bn_gamma, "bn_beta": bn_beta, "W2": W2, "b2": b2,
            "bond_emb": bond_emb}


def reference(x, edge_index, edge_attr, ln_gamma, ln_beta, W1, b1, bn_gamma, bn_beta, W2, b2, bond_emb):
    src = edge_index[0]
    dst = edge_index[1]
    h = x
    for l in range(L):
        # outer BatchNorm1d (GIN.layer_norms), training-mode batch stats
        hn = _batchnorm(h, ln_gamma[l], ln_beta[l])
        # BondEncoder: sum of categorical embeddings over edge feature columns
        ee = (jnp.take(bond_emb[l, 0], edge_attr[:, 0], axis=0)
              + jnp.take(bond_emb[l, 1], edge_attr[:, 1], axis=0)
              + jnp.take(bond_emb[l, 2], edge_attr[:, 2], axis=0))
        # message: relu(x_j + edge_attr), aggr='add' to dst nodes
        msg = jax.nn.relu(jnp.take(hn, src, axis=0) + ee)
        agg = jax.ops.segment_sum(msg, dst, num_segments=N)
        # mlp: Linear -> BatchNorm1d -> ReLU -> Linear on (x + propagate)
        y = (hn + agg) @ W1[l].T + b1[l]
        y = _batchnorm(y, bn_gamma[l], bn_beta[l])
        y = jax.nn.relu(y) @ W2[l].T + b2[l]
        if l == L - 1:
            h = y  # dropout with p=0 is identity
        else:
            h = jax.nn.relu(y)
    return h  # JK='last'

if __name__ == "__main__":
    import jax
    _d = setup_inputs()
    print(jax.jit(kernel)(*tuple(_d.values())))

</pallas_src>

<mosaic_0001>
#map = affine_map<(d0, d1) -> (0, 0)>
#map1 = affine_map<(d0, d1) -> (0, 0, 0)>
module attributes {stable_mosaic.version = 14 : i64} {
  func.func @_sc_agg_body(%arg0: i32, %arg1: i32, %arg2: memref<10000x128xf32, #tpu.memory_space<hbm>>, %arg3: memref<512x128xf32, #tpu.memory_space<hbm>>, %arg4: memref<32x80x128xi32, #tpu.memory_space<hbm>>, %arg5: memref<32x80x128xi32, #tpu.memory_space<hbm>>, %arg6: memref<32x80x128xi32, #tpu.memory_space<hbm>>, %arg7: memref<128x128xf32, #tpu.memory_space<hbm>>, %arg8: memref<20480x128xf32, #tpu.memory_space<hbm>>, %arg9: memref<10240x128xf32, #tpu.memory_space<vmem_shared>>, %arg10: memref<80x128xi32, #tpu.memory_space<vmem>>, %arg11: memref<80x128xi32, #tpu.memory_space<vmem>>, %arg12: memref<80x128xi32, #tpu.memory_space<vmem>>, %arg13: memref<128x128xf32, #tpu.memory_space<vmem>>, %arg14: memref<!tpu.dma_semaphore, #tpu.memory_space<semaphore_mem>>) attributes {dimension_semantics = [#tpu.dimension_semantics<core_parallel>, #tpu.dimension_semantics<subcore_parallel>], iteration_bounds = array<i64: 2, 16>, scalar_prefetch = 0 : i64, scratch_operands = 6 : i64, tpu.core_type = #tpu.core_type<sc_vector_subcore>, window_params = [{transform_indices = #map}, {transform_indices = #map}, {transform_indices = #map1}, {transform_indices = #map1}, {transform_indices = #map1}, {transform_indices = #map}, {transform_indices = #map}]} {
    %mul3A = arith.constant 16 : i32
    %mul3A_0 = arith.muli %arg0, %mul3A : i32
    %add3A = arith.addi %mul3A_0, %arg1 : i32
    "tpu.region"() ({
      %run_scoped3A = tpu.sem_alloc : memref<!tpu.dma_semaphore, #tpu.memory_space<semaphore_mem>>
      tpu.enqueue_dma source(%arg7 : memref<128x128xf32, #tpu.memory_space<hbm>>) target(%arg13 : memref<128x128xf32, #tpu.memory_space<vmem>>) target_semaphore(%run_scoped3A : memref<!tpu.dma_semaphore, #tpu.memory_space<semaphore_mem>>)
      tpu.wait_dma2 semaphore(%run_scoped3A : memref<!tpu.dma_semaphore, #tpu.memory_space<semaphore_mem>>) src(%arg7 : memref<128x128xf32, #tpu.memory_space<hbm>>) dst(%arg13 : memref<128x128xf32, #tpu.memory_space<vmem>>)
      tpu.yield
    }) : () -> ()
    %scan3A = arith.constant 0 : i32
    %scan3A_1 = arith.constant 0 : i32
    %scan3A_2 = arith.constant 5 : i32
    %scan3A_3 = arith.addi %scan3A_1, %scan3A_2 : i32
    %scan3A_4 = arith.constant 1 : i32
    scf.for %scan3A_19 = %scan3A_1 to %scan3A_3 step %scan3A_4  : i32 {
      %mul3A_20 = arith.constant 640 : i32
      %mul3A_21 = arith.muli %arg1, %mul3A_20 : i32
      %mul3A_22 = arith.constant 128 : i32
      %mul3A_23 = arith.muli %scan3A_19, %mul3A_22 : i32
      %add3A_24 = arith.addi %mul3A_21, %mul3A_23 : i32
      "tpu.region"() ({
        %run_scoped3A = tpu.sem_alloc : memref<!tpu.dma_semaphore, #tpu.memory_space<semaphore_mem>>
        %dma_start3A = arith.constant 0 : i32
        %dma_start3A_25 = tpu.memref_slice %arg9[%add3A_24, %dma_start3A] : memref<10240x128xf32, #tpu.memory_space<vmem_shared>> -> memref<128x128xf32, #tpu.memory_space<vmem_shared>>
        %dma_start3A_26 = arith.constant 0 : i32
        %dma_start3A_27 = tpu.memref_slice %arg9[%add3A_24, %dma_start3A_26] : memref<10240x128xf32, #tpu.memory_space<vmem_shared>> -> memref<128x128xf32, #tpu.memory_space<vmem_shared>>
        tpu.enqueue_dma source(%arg13 : memref<128x128xf32, #tpu.memory_space<vmem>>) target(%dma_start3A_27 : memref<128x128xf32, #tpu.memory_space<vmem_shared>>) target_semaphore(%run_scoped3A : memref<!tpu.dma_semaphore, #tpu.memory_space<semaphore_mem>>)
        %dma_wait3A = arith.constant 0 : i32
        %dma_wait3A_28 = tpu.memref_slice %arg9[%add3A_24, %dma_wait3A] : memref<10240x128xf32, #tpu.memory_space<vmem_shared>> -> memref<128x128xf32, #tpu.memory_space<vmem_shared>>
        %dma_wait3A_29 = arith.constant 0 : i32
        %dma_wait3A_30 = tpu.memref_slice %arg9[%add3A_24, %dma_wait3A_29] : memref<10240x128xf32, #tpu.memory_space<vmem_shared>> -> memref<128x128xf32, #tpu.memory_space<vmem_shared>>
        tpu.wait_dma2 semaphore(%run_scoped3A : memref<!tpu.dma_semaphore, #tpu.memory_space<semaphore_mem>>) src(%arg13 : memref<128x128xf32, #tpu.memory_space<vmem>>) dst(%dma_wait3A_30 : memref<128x128xf32, #tpu.memory_space<vmem_shared>>)
        tpu.yield
      }) : () -> ()
    }
    %scan3A_5 = arith.constant 5 : i32
    "tpu.region"() ({
      %run_scoped3A = tpu.sem_alloc : memref<!tpu.dma_semaphore, #tpu.memory_space<semaphore_mem>>
      %dma_start3A = arith.constant 0 : i32
      %dma_start3A_19 = arith.constant 0 : i32
      %dma_start3A_20 = tpu.memref_slice %arg4[%add3A, %dma_start3A, %dma_start3A_19] : memref<32x80x128xi32, #tpu.memory_space<hbm>> -> memref<1x80x128xi32, #tpu.memory_space<hbm>>
      %dma_start3A_21 = tpu.memref_squeeze %dma_start3A_20 : memref<1x80x128xi32, #tpu.memory_space<hbm>> -> memref<80x128xi32, #tpu.memory_space<hbm>>
      %dma_start3A_22 = arith.constant 0 : i32
      %dma_start3A_23 = arith.constant 0 : i32
      %dma_start3A_24 = tpu.memref_slice %arg4[%add3A, %dma_start3A_22, %dma_start3A_23] : memref<32x80x128xi32, #tpu.memory_space<hbm>> -> memref<1x80x128xi32, #tpu.memory_space<hbm>>
      %dma_start3A_25 = tpu.memref_squeeze %dma_start3A_24 : memref<1x80x128xi32, #tpu.memory_space<hbm>> -> memref<80x128xi32, #tpu.memory_space<hbm>>
      tpu.enqueue_dma source(%dma_start3A_25 : memref<80x128xi32, #tpu.memory_space<hbm>>) target(%arg10 : memref<80x128xi32, #tpu.memory_space<vmem>>) target_semaphore(%run_scoped3A : memref<!tpu.dma_semaphore, #tpu.memory_space<semaphore_mem>>)
      %dma_wait3A = arith.constant 0 : i32
      %dma_wait3A_26 = arith.constant 0 : i32
      %dma_wait3A_27 = tpu.memref_slice %arg4[%add3A, %dma_wait3A, %dma_wait3A_26] : memref<32x80x128xi32, #tpu.memory_space<hbm>> -> memref<1x80x128xi32, #tpu.memory_space<hbm>>
      %dma_wait3A_28 = tpu.memref_squeeze %dma_wait3A_27 : memref<1x80x128xi32, #tpu.memory_space<hbm>> -> memref<80x128xi32, #tpu.memory_space<hbm>>
      %dma_wait3A_29 = arith.constant 0 : i32
      %dma_wait3A_30 = arith.constant 0 : i32
      %dma_wait3A_31 = tpu.memref_slice %arg4[%add3A, %dma_wait3A_29, %dma_wait3A_30] : memref<32x80x128xi32, #tpu.memory_space<hbm>> -> memref<1x80x128xi32, #tpu.memory_space<hbm>>
      %dma_wait3A_32 = tpu.memref_squeeze %dma_wait3A_31 : memref<1x80x128xi32, #tpu.memory_space<hbm>> -> memref<80x128xi32, #tpu.memory_space<hbm>>
      tpu.wait_dma2 semaphore(%run_scoped3A : memref<!tpu.dma_semaphore, #tpu.memory_space<semaphore_mem>>) src(%dma_wait3A_32 : memref<80x128xi32, #tpu.memory_space<hbm>>) dst(%arg10 : memref<80x128xi32, #tpu.memory_space<vmem>>)
      tpu.yield
    }) : () -> ()
    "tpu.region"() ({
      %run_scoped3A = tpu.sem_alloc : memref<!tpu.dma_semaphore, #tpu.memory_space<semaphore_mem>>
      %dma_start3A = arith.constant 0 : i32
      %dma_start3A_19 = arith.constant 0 : i32
      %dma_start3A_20 = tpu.memref_slice %arg5[%add3A, %dma_start3A, %dma_start3A_19] : memref<32x80x128xi32, #tpu.memory_space<hbm>> -> memref<1x80x128xi32, #tpu.memory_space<hbm>>
      %dma_start3A_21 = tpu.memref_squeeze %dma_start3A_20 : memref<1x80x128xi32, #tpu.memory_space<hbm>> -> memref<80x128xi32, #tpu.memory_space<hbm>>
      %dma_start3A_22 = arith.constant 0 : i32
      %dma_start3A_23 = arith.constant 0 : i32
      %dma_start3A_24 = tpu.memref_slice %arg5[%add3A, %dma_start3A_22, %dma_start3A_23] : memref<32x80x128xi32, #tpu.memory_space<hbm>> -> memref<1x80x128xi32, #tpu.memory_space<hbm>>
      %dma_start3A_25 = tpu.memref_squeeze %dma_start3A_24 : memref<1x80x128xi32, #tpu.memory_space<hbm>> -> memref<80x128xi32, #tpu.memory_space<hbm>>
      tpu.enqueue_dma source(%dma_start3A_25 : memref<80x128xi32, #tpu.memory_space<hbm>>) target(%arg11 : memref<80x128xi32, #tpu.memory_space<vmem>>) target_semaphore(%run_scoped3A : memref<!tpu.dma_semaphore, #tpu.memory_space<semaphore_mem>>)
      %dma_wait3A = arith.constant 0 : i32
      %dma_wait3A_26 = arith.constant 0 : i32
      %dma_wait3A_27 = tpu.memref_slice %arg5[%add3A, %dma_wait3A, %dma_wait3A_26] : memref<32x80x128xi32, #tpu.memory_space<hbm>> -> memref<1x80x128xi32, #tpu.memory_space<hbm>>
      %dma_wait3A_28 = tpu.memref_squeeze %dma_wait3A_27 : memref<1x80x128xi32, #tpu.memory_space<hbm>> -> memref<80x128xi32, #tpu.memory_space<hbm>>
      %dma_wait3A_29 = arith.constant 0 : i32
      %dma_wait3A_30 = arith.constant 0 : i32
      %dma_wait3A_31 = tpu.memref_slice %arg5[%add3A, %dma_wait3A_29, %dma_wait3A_30] : memref<32x80x128xi32, #tpu.memory_space<hbm>> -> memref<1x80x128xi32, #tpu.memory_space<hbm>>
      %dma_wait3A_32 = tpu.memref_squeeze %dma_wait3A_31 : memref<1x80x128xi32, #tpu.memory_space<hbm>> -> memref<80x128xi32, #tpu.memory_space<hbm>>
      tpu.wait_dma2 semaphore(%run_scoped3A : memref<!tpu.dma_semaphore, #tpu.memory_space<semaphore_mem>>) src(%dma_wait3A_32 : memref<80x128xi32, #tpu.memory_space<hbm>>) dst(%arg11 : memref<80x128xi32, #tpu.memory_space<vmem>>)
      tpu.yield
    }) : () -> ()
    "tpu.region"() ({
      %run_scoped3A = tpu.sem_alloc : memref<!tpu.dma_semaphore, #tpu.memory_space<semaphore_mem>>
      %dma_start3A = arith.constant 0 : i32
      %dma_start3A_19 = arith.constant 0 : i32
      %dma_start3A_20 = tpu.memref_slice %arg6[%add3A, %dma_start3A, %dma_start3A_19] : memref<32x80x128xi32, #tpu.memory_space<hbm>> -> memref<1x80x128xi32, #tpu.memory_space<hbm>>
      %dma_start3A_21 = tpu.memref_squeeze %dma_start3A_20 : memref<1x80x128xi32, #tpu.memory_space<hbm>> -> memref<80x128xi32, #tpu.memory_space<hbm>>
      %dma_start3A_22 = arith.constant 0 : i32
      %dma_start3A_23 = arith.constant 0 : i32
      %dma_start3A_24 = tpu.memref_slice %arg6[%add3A, %dma_start3A_22, %dma_start3A_23] : memref<32x80x128xi32, #tpu.memory_space<hbm>> -> memref<1x80x128xi32, #tpu.memory_space<hbm>>
      %dma_start3A_25 = tpu.memref_squeeze %dma_start3A_24 : memref<1x80x128xi32, #tpu.memory_space<hbm>> -> memref<80x128xi32, #tpu.memory_space<hbm>>
      tpu.enqueue_dma source(%dma_start3A_25 : memref<80x128xi32, #tpu.memory_space<hbm>>) target(%arg12 : memref<80x128xi32, #tpu.memory_space<vmem>>) target_semaphore(%run_scoped3A : memref<!tpu.dma_semaphore, #tpu.memory_space<semaphore_mem>>)
      %dma_wait3A = arith.constant 0 : i32
      %dma_wait3A_26 = arith.constant 0 : i32
      %dma_wait3A_27 = tpu.memref_slice %arg6[%add3A, %dma_wait3A, %dma_wait3A_26] : memref<32x80x128xi32, #tpu.memory_space<hbm>> -> memref<1x80x128xi32, #tpu.memory_space<hbm>>
      %dma_wait3A_28 = tpu.memref_squeeze %dma_wait3A_27 : memref<1x80x128xi32, #tpu.memory_space<hbm>> -> memref<80x128xi32, #tpu.memory_space<hbm>>
      %dma_wait3A_29 = arith.constant 0 : i32
      %dma_wait3A_30 = arith.constant 0 : i32
      %dma_wait3A_31 = tpu.memref_slice %arg6[%add3A, %dma_wait3A_29, %dma_wait3A_30] : memref<32x80x128xi32, #tpu.memory_space<hbm>> -> memref<1x80x128xi32, #tpu.memory_space<hbm>>
      %dma_wait3A_32 = tpu.memref_squeeze %dma_wait3A_31 : memref<1x80x128xi32, #tpu.memory_space<hbm>> -> memref<80x128xi32, #tpu.memory_space<hbm>>
      tpu.wait_dma2 semaphore(%run_scoped3A : memref<!tpu.dma_semaphore, #tpu.memory_space<semaphore_mem>>) src(%dma_wait3A_32 : memref<80x128xi32, #tpu.memory_space<hbm>>) dst(%arg12 : memref<80x128xi32, #tpu.memory_space<vmem>>)
      tpu.yield
    }) : () -> ()
    %barrier3A = arith.constant 0 : index
    tpu.barrier barrier_id(%barrier3A)
    %scan3A_6 = arith.constant 0 : i32
    %scan3A_7 = arith.constant 0 : i32
    %scan3A_8 = arith.constant 80 : i32
    %scan3A_9 = arith.addi %scan3A_7, %scan3A_8 : i32
    %scan3A_10 = arith.constant 1 : i32
    scf.for %scan3A_19 = %scan3A_7 to %scan3A_9 step %scan3A_10  : i32 {
      %dma_start3A = arith.constant 0 : i32
      %dma_start3A_20 = tpu.memref_slice %arg11[%scan3A_19, %dma_start3A] : memref<80x128xi32, #tpu.memory_space<vmem>> -> memref<1x128xi32, #tpu.memory_space<vmem>>
      %dma_start3A_21 = tpu.memref_squeeze %dma_start3A_20 : memref<1x128xi32, #tpu.memory_space<vmem>> -> memref<128xi32, #tpu.memory_space<vmem>>
      %dma_start3A_22 = arith.constant 0 : i32
      %dma_start3A_23 = arith.constant 0 : i32
      %dma_start3A_24 = tpu.memref_slice %arg3[%dma_start3A_22, %dma_start3A_23] : memref<512x128xf32, #tpu.memory_space<hbm>> -> memref<512x128xf32, #tpu.memory_space<hbm>>
      tpu.enqueue_indirect_dma source(%dma_start3A_24 : memref<512x128xf32, #tpu.memory_space<hbm>>) target(%arg13 : memref<128x128xf32, #tpu.memory_space<vmem>>) offsets(%dma_start3A_21 : memref<128xi32, #tpu.memory_space<vmem>>) semaphore(%arg14 : memref<!tpu.dma_semaphore, #tpu.memory_space<semaphore_mem>>)
      %dma_wait3A = arith.constant 0 : i32
      %dma_wait3A_25 = tpu.memref_slice %arg11[%scan3A_19, %dma_wait3A] : memref<80x128xi32, #tpu.memory_space<vmem>> -> memref<1x128xi32, #tpu.memory_space<vmem>>
      %dma_wait3A_26 = tpu.memref_squeeze %dma_wait3A_25 : memref<1x128xi32, #tpu.memory_space<vmem>> -> memref<128xi32, #tpu.memory_space<vmem>>
      %dma_wait3A_27 = arith.constant 0 : i32
      %dma_wait3A_28 = arith.constant 0 : i32
      %dma_wait3A_29 = tpu.memref_slice %arg3[%dma_wait3A_27, %dma_wait3A_28] : memref<512x128xf32, #tpu.memory_space<hbm>> -> memref<512x128xf32, #tpu.memory_space<hbm>>
      tpu.wait_indirect_dma semaphore(%arg14 : memref<!tpu.dma_semaphore, #tpu.memory_space<semaphore_mem>>) src(%dma_wait3A_29 : memref<512x128xf32, #tpu.memory_space<hbm>>) dst(%arg13 : memref<128x128xf32, #tpu.memory_space<vmem>>)
      %dma_start3A_30 = arith.constant 0 : i32
      %dma_start3A_31 = tpu.memref_slice %arg10[%scan3A_19, %dma_start3A_30] : memref<80x128xi32, #tpu.memory_space<vmem>> -> memref<1x128xi32, #tpu.memory_space<vmem>>
      %dma_start3A_32 = tpu.memref_squeeze %dma_start3A_31 : memref<1x128xi32, #tpu.memory_space<vmem>> -> memref<128xi32, #tpu.memory_space<vmem>>
      %dma_start3A_33 = arith.constant 0 : i32
      %dma_start3A_34 = arith.constant 0 : i32
      %dma_start3A_35 = tpu.memref_slice %arg2[%dma_start3A_33, %dma_start3A_34] : memref<10000x128xf32, #tpu.memory_space<hbm>> -> memref<10000x128xf32, #tpu.memory_space<hbm>>
      tpu.enqueue_indirect_dma source(%dma_start3A_35 : memref<10000x128xf32, #tpu.memory_space<hbm>>) target(%arg13 : memref<128x128xf32, #tpu.memory_space<vmem>>) offsets(%dma_start3A_32 : memref<128xi32, #tpu.memory_space<vmem>>) semaphore(%arg14 : memref<!tpu.dma_semaphore, #tpu.memory_space<semaphore_mem>>) {add = true}
      %dma_wait3A_36 = arith.constant 0 : i32
      %dma_wait3A_37 = tpu.memref_slice %arg10[%scan3A_19, %dma_wait3A_36] : memref<80x128xi32, #tpu.memory_space<vmem>> -> memref<1x128xi32, #tpu.memory_space<vmem>>
      %dma_wait3A_38 = tpu.memref_squeeze %dma_wait3A_37 : memref<1x128xi32, #tpu.memory_space<vmem>> -> memref<128xi32, #tpu.memory_space<vmem>>
      %dma_wait3A_39 = arith.constant 0 : i32
      %dma_wait3A_40 = arith.constant 0 : i32
      %dma_wait3A_41 = tpu.memref_slice %arg2[%dma_wait3A_39, %dma_wait3A_40] : memref<10000x128xf32, #tpu.memory_space<hbm>> -> memref<10000x128xf32, #tpu.memory_space<hbm>>
      tpu.wait_indirect_dma semaphore(%arg14 : memref<!tpu.dma_semaphore, #tpu.memory_space<semaphore_mem>>) src(%dma_wait3A_41 : memref<10000x128xf32, #tpu.memory_space<hbm>>) dst(%arg13 : memref<128x128xf32, #tpu.memory_space<vmem>>)
      %scan3A_42 = arith.constant 0 : i32
      %scan3A_43 = arith.constant 0 : i32
      %scan3A_44 = arith.constant 128 : i32
      %scan3A_45 = arith.addi %scan3A_43, %scan3A_44 : i32
      %scan3A_46 = arith.constant 1 : i32
      scf.for %scan3A_48 = %scan3A_43 to %scan3A_45 step %scan3A_46  : i32 {
        %get3A = arith.index_cast %scan3A_48 : i32 to index
        %get3A_49 = arith.constant 0 : index
        %get3A_50 = tpu.vector_load %arg13[%get3A, %get3A_49] {strides = array<i32>} : memref<128x128xf32, #tpu.memory_space<vmem>>, vector<1x16xf32>,
        %get3A_51 = vector.shape_cast %get3A_50 : vector<1x16xf32> to vector<16xf32>
        %max3A = arith.constant 0.000000e+00 : f32
        %max3A_52 = vector.broadcast %max3A : f32 to vector<16xf32>
        %max3A_53 = arith.maximumf %get3A_51, %max3A_52 : vector<16xf32>
        %swap3A = arith.index_cast %scan3A_48 : i32 to index
        %swap3A_54 = arith.constant 0 : index
        %swap3A_55 = tpu.vector_load %arg13[%swap3A, %swap3A_54] {strides = array<i32>} : memref<128x128xf32, #tpu.memory_space<vmem>>, vector<1x16xf32>,
        %swap3A_56 = vector.shape_cast %swap3A_55 : vector<1x16xf32> to vector<16xf32>
        %swap3A_57 = vector.shape_cast %max3A_53 : vector<16xf32> to vector<1x16xf32>
        tpu.vector_store %arg13[%swap3A, %swap3A_54], %swap3A_57 {strides = array<i32>} : memref<128x128xf32, #tpu.memory_space<vmem>>, vector<1x16xf32>,
        %get3A_58 = arith.index_cast %scan3A_48 : i32 to index
        %get3A_59 = arith.constant 16 : index
        %get3A_60 = tpu.vector_load %arg13[%get3A_58, %get3A_59] {strides = array<i32>} : memref<128x128xf32, #tpu.memory_space<vmem>>, vector<1x16xf32>,
        %get3A_61 = vector.shape_cast %get3A_60 : vector<1x16xf32> to vector<16xf32>
        %max3A_62 = arith.constant 0.000000e+00 : f32
        %max3A_63 = vector.broadcast %max3A_62 : f32 to vector<16xf32>
        %max3A_64 = arith.maximumf %get3A_61, %max3A_63 : vector<16xf32>
        %swap3A_65 = arith.index_cast %scan3A_48 : i32 to index
        %swap3A_66 = arith.constant 16 : index
        %swap3A_67 = tpu.vector_load %arg13[%swap3A_65, %swap3A_66] {strides = array<i32>} : memref<128x128xf32, #tpu.memory_space<vmem>>, vector<1x16xf32>,
        %swap3A_68 = vector.shape_cast %swap3A_67 : vector<1x16xf32> to vector<16xf32>
        %swap3A_69 = vector.shape_cast %max3A_64 : vector<16xf32> to vector<1x16xf32>
        tpu.vector_store %arg13[%swap3A_65, %swap3A_66], %swap3A_69 {strides = array<i32>} : memref<128x128xf32, #tpu.memory_space<vmem>>, vector<1x16xf32>,
        %get3A_70 = arith.index_cast %scan3A_48 : i32 to index
        %get3A_71 = arith.constant 32 : index
        %get3A_72 = tpu.vector_load %arg13[%get3A_70, %get3A_71] {strides = array<i32>} : memref<128x128xf32, #tpu.memory_space<vmem>>, vector<1x16xf32>,
        %get3A_73 = vector.shape_cast %get3A_72 : vector<1x16xf32> to vector<16xf32>
        %max3A_74 = arith.constant 0.000000e+00 : f32
        %max3A_75 = vector.broadcast %max3A_74 : f32 to vector<16xf32>
        %max3A_76 = arith.maximumf %get3A_73, %max3A_75 : vector<16xf32>
        %swap3A_77 = arith.index_cast %scan3A_48 : i32 to index
        %swap3A_78 = arith.constant 32 : index
        %swap3A_79 = tpu.vector_load %arg13[%swap3A_77, %swap3A_78] {strides = array<i32>} : memref<128x128xf32, #tpu.memory_space<vmem>>, vector<1x16xf32>,
        %swap3A_80 = vector.shape_cast %swap3A_79 : vector<1x16xf32> to vector<16xf32>
        %swap3A_81 = vector.shape_cast %max3A_76 : vector<16xf32> to vector<1x16xf32>
        tpu.vector_store %arg13[%swap3A_77, %swap3A_78], %swap3A_81 {strides = array<i32>} : memref<128x128xf32, #tpu.memory_space<vmem>>, vector<1x16xf32>,
        %get3A_82 = arith.index_cast %scan3A_48 : i32 to index
        %get3A_83 = arith.constant 48 : index
        %get3A_84 = tpu.vector_load %arg13[%get3A_82, %get3A_83] {strides = array<i32>} : memref<128x128xf32, #tpu.memory_space<vmem>>, vector<1x16xf32>,
        %get3A_85 = vector.shape_cast %get3A_84 : vector<1x16xf32> to vector<16xf32>
        %max3A_86 = arith.constant 0.000000e+00 : f32
        %max3A_87 = vector.broadcast %max3A_86 : f32 to vector<16xf32>
        %max3A_88 = arith.maximumf %get3A_85, %max3A_87 : vector<16xf32>
        %swap3A_89 = arith.index_cast %scan3A_48 : i32 to index
        %swap3A_90 = arith.constant 48 : index
        %swap3A_91 = tpu.vector_load %arg13[%swap3A_89, %swap3A_90] {strides = array<i32>} : memref<128x128xf32, #tpu.memory_space<vmem>>, vector<1x16xf32>,
        %swap3A_92 = vector.shape_cast %swap3A_91 : vector<1x16xf32> to vector<16xf32>
        %swap3A_93 = vector.shape_cast %max3A_88 : vector<16xf32> to vector<1x16xf32>
        tpu.vector_store %arg13[%swap3A_89, %swap3A_90], %swap3A_93 {strides = array<i32>} : memref<128x128xf32, #tpu.memory_space<vmem>>, vector<1x16xf32>,
        %get3A_94 = arith.index_cast %scan3A_48 : i32 to index
        %get3A_95 = arith.constant 64 : index
        %get3A_96 = tpu.vector_load %arg13[%get3A_94, %get3A_95] {strides = array<i32>} : memref<128x128xf32, #tpu.memory_space<vmem>>, vector<1x16xf32>,
        %get3A_97 = vector.shape_cast %get3A_96 : vector<1x16xf32> to vector<16xf32>
        %max3A_98 = arith.constant 0.000000e+00 : f32
        %max3A_99 = vector.broadcast %max3A_98 : f32 to vector<16xf32>
        %max3A_100 = arith.maximumf %get3A_97, %max3A_99 : vector<16xf32>
        %swap3A_101 = arith.index_cast %scan3A_48 : i32 to index
        %swap3A_102 = arith.constant 64 : index
        %swap3A_103 = tpu.vector_load %arg13[%swap3A_101, %swap3A_102] {strides = array<i32>} : memref<128x128xf32, #tpu.memory_space<vmem>>, vector<1x16xf32>,
        %swap3A_104 = vector.shape_cast %swap3A_103 : vector<1x16xf32> to vector<16xf32>
        %swap3A_105 = vector.shape_cast %max3A_100 : vector<16xf32> to vector<1x16xf32>
        tpu.vector_store %arg13[%swap3A_101, %swap3A_102], %swap3A_105 {strides = array<i32>} : memref<128x128xf32, #tpu.memory_space<vmem>>, vector<1x16xf32>,
        %get3A_106 = arith.index_cast %scan3A_48 : i32 to index
        %get3A_107 = arith.constant 80 : index
        %get3A_108 = tpu.vector_load %arg13[%get3A_106, %get3A_107] {strides = array<i32>} : memref<128x128xf32, #tpu.memory_space<vmem>>, vector<1x16xf32>,
        %get3A_109 = vector.shape_cast %get3A_108 : vector<1x16xf32> to vector<16xf32>
        %max3A_110 = arith.constant 0.000000e+00 : f32
        %max3A_111 = vector.broadcast %max3A_110 : f32 to vector<16xf32>
        %max3A_112 = arith.maximumf %get3A_109, %max3A_111 : vector<16xf32>
        %swap3A_113 = arith.index_cast %scan3A_48 : i32 to index
        %swap3A_114 = arith.constant 80 : index
        %swap3A_115 = tpu.vector_load %arg13[%swap3A_113, %swap3A_114] {strides = array<i32>} : memref<128x128xf32, #tpu.memory_space<vmem>>, vector<1x16xf32>,
        %swap3A_116 = vector.shape_cast %swap3A_115 : vector<1x16xf32> to vector<16xf32>
        %swap3A_117 = vector.shape_cast %max3A_112 : vector<16xf32> to vector<1x16xf32>
        tpu.vector_store %arg13[%swap3A_113, %swap3A_114], %swap3A_117 {strides = array<i32>} : memref<128x128xf32, #tpu.memory_space<vmem>>, vector<1x16xf32>,
        %get3A_118 = arith.index_cast %scan3A_48 : i32 to index
        %get3A_119 = arith.constant 96 : index
        %get3A_120 = tpu.vector_load %arg13[%get3A_118, %get3A_119] {strides = array<i32>} : memref<128x128xf32, #tpu.memory_space<vmem>>, vector<1x16xf32>,
        %get3A_121 = vector.shape_cast %get3A_120 : vector<1x16xf32> to vector<16xf32>
        %max3A_122 = arith.constant 0.000000e+00 : f32
        %max3A_123 = vector.broadcast %max3A_122 : f32 to vector<16xf32>
        %max3A_124 = arith.maximumf %get3A_121, %max3A_123 : vector<16xf32>
        %swap3A_125 = arith.index_cast %scan3A_48 : i32 to index
        %swap3A_126 = arith.constant 96 : index
        %swap3A_127 = tpu.vector_load %arg13[%swap3A_125, %swap3A_126] {strides = array<i32>} : memref<128x128xf32, #tpu.memory_space<vmem>>, vector<1x16xf32>,
        %swap3A_128 = vector.shape_cast %swap3A_127 : vector<1x16xf32> to vector<16xf32>
        %swap3A_129 = vector.shape_cast %max3A_124 : vector<16xf32> to vector<1x16xf32>
        tpu.vector_store %arg13[%swap3A_125, %swap3A_126], %swap3A_129 {strides = array<i32>} : memref<128x128xf32, #tpu.memory_space<vmem>>, vector<1x16xf32>,
        %get3A_130 = arith.index_cast %scan3A_48 : i32 to index
        %get3A_131 = arith.constant 112 : index
        %get3A_132 = tpu.vector_load %arg13[%get3A_130, %get3A_131] {strides = array<i32>} : memref<128x128xf32, #tpu.memory_space<vmem>>, vector<1x16xf32>,
        %get3A_133 = vector.shape_cast %get3A_132 : vector<1x16xf32> to vector<16xf32>
        %max3A_134 = arith.constant 0.000000e+00 : f32
        %max3A_135 = vector.broadcast %max3A_134 : f32 to vector<16xf32>
        %max3A_136 = arith.maximumf %get3A_133, %max3A_135 : vector<16xf32>
        %swap3A_137 = arith.index_cast %scan3A_48 : i32 to index
        %swap3A_138 = arith.constant 112 : index
        %swap3A_139 = tpu.vector_load %arg13[%swap3A_137, %swap3A_138] {strides = array<i32>} : memref<128x128xf32, #tpu.memory_space<vmem>>, vector<1x16xf32>,
        %swap3A_140 = vector.shape_cast %swap3A_139 : vector<1x16xf32> to vector<16xf32>
        %swap3A_141 = vector.shape_cast %max3A_136 : vector<16xf32> to vector<1x16xf32>
        tpu.vector_store %arg13[%swap3A_137, %swap3A_138], %swap3A_141 {strides = array<i32>} : memref<128x128xf32, #tpu.memory_space<vmem>>, vector<1x16xf32>,
      }
      %scan3A_47 = arith.constant 128 : i32
      "tpu.region"() ({
        %run_scoped3A = tpu.sem_alloc : memref<!tpu.dma_semaphore, #tpu.memory_space<semaphore_mem>>
        %dma_start3A_48 = arith.constant 0 : i32
        %dma_start3A_49 = tpu.memref_slice %arg12[%scan3A_19, %dma_start3A_48] : memref<80x128xi32, #tpu.memory_space<vmem>> -> memref<1x128xi32, #tpu.memory_space<vmem>>
        %dma_start3A_50 = tpu.memref_squeeze %dma_start3A_49 : memref<1x128xi32, #tpu.memory_space<vmem>> -> memref<128xi32, #tpu.memory_space<vmem>>
        %dma_start3A_51 = arith.constant 0 : i32
        %dma_start3A_52 = arith.constant 0 : i32
        %dma_start3A_53 = tpu.memref_slice %arg9[%dma_start3A_51, %dma_start3A_52] : memref<10240x128xf32, #tpu.memory_space<vmem_shared>> -> memref<10240x128xf32, #tpu.memory_space<vmem_shared>>
        tpu.enqueue_indirect_dma source(%arg13 : memref<128x128xf32, #tpu.memory_space<vmem>>) target(%dma_start3A_53 : memref<10240x128xf32, #tpu.memory_space<vmem_shared>>) offsets(%dma_start3A_50 : memref<128xi32, #tpu.memory_space<vmem>>) semaphore(%run_scoped3A : memref<!tpu.dma_semaphore, #tpu.memory_space<semaphore_mem>>) {add = true}
        %dma_wait3A_54 = arith.constant 0 : i32
        %dma_wait3A_55 = tpu.memref_slice %arg12[%scan3A_19, %dma_wait3A_54] : memref<80x128xi32, #tpu.memory_space<vmem>> -> memref<1x128xi32, #tpu.memory_space<vmem>>
        %dma_wait3A_56 = tpu.memref_squeeze %dma_wait3A_55 : memref<1x128xi32, #tpu.memory_space<vmem>> -> memref<128xi32, #tpu.memory_space<vmem>>
        %dma_wait3A_57 = arith.constant 0 : i32
        %dma_wait3A_58 = arith.constant 0 : i32
        %dma_wait3A_59 = tpu.memref_slice %arg9[%dma_wait3A_57, %dma_wait3A_58] : memref<10240x128xf32, #tpu.memory_space<vmem_shared>> -> memref<10240x128xf32, #tpu.memory_space<vmem_shared>>
        tpu.wait_indirect_dma semaphore(%run_scoped3A : memref<!tpu.dma_semaphore, #tpu.memory_space<semaphore_mem>>) src(%arg13 : memref<128x128xf32, #tpu.memory_space<vmem>>) dst(%dma_wait3A_59 : memref<10240x128xf32, #tpu.memory_space<vmem_shared>>)
        tpu.yield
      }) : () -> ()
    }
    %scan3A_11 = arith.constant 80 : i32
    %barrier3A_12 = arith.constant 0 : index
    tpu.barrier barrier_id(%barrier3A_12)
    %scan3A_13 = arith.constant 0 : i32
    %scan3A_14 = arith.constant 0 : i32
    %scan3A_15 = arith.constant 5 : i32
    %scan3A_16 = arith.addi %scan3A_14, %scan3A_15 : i32
    %scan3A_17 = arith.constant 1 : i32
    scf.for %scan3A_19 = %scan3A_14 to %scan3A_16 step %scan3A_17  : i32 {
      %mul3A_20 = arith.constant 640 : i32
      %mul3A_21 = arith.muli %arg1, %mul3A_20 : i32
      %mul3A_22 = arith.constant 128 : i32
      %mul3A_23 = arith.muli %scan3A_19, %mul3A_22 : i32
      %add3A_24 = arith.addi %mul3A_21, %mul3A_23 : i32
      "tpu.region"() ({
        %run_scoped3A = tpu.sem_alloc : memref<!tpu.dma_semaphore, #tpu.memory_space<semaphore_mem>>
        %dma_start3A = arith.constant 0 : i32
        %dma_start3A_28 = tpu.memref_slice %arg9[%add3A_24, %dma_start3A] : memref<10240x128xf32, #tpu.memory_space<vmem_shared>> -> memref<128x128xf32, #tpu.memory_space<vmem_shared>>
        %dma_start3A_29 = arith.constant 0 : i32
        %dma_start3A_30 = tpu.memref_slice %arg9[%add3A_24, %dma_start3A_29] : memref<10240x128xf32, #tpu.memory_space<vmem_shared>> -> memref<128x128xf32, #tpu.memory_space<vmem_shared>>
        tpu.enqueue_dma source(%dma_start3A_30 : memref<128x128xf32, #tpu.memory_space<vmem_shared>>) target(%arg13 : memref<128x128xf32, #tpu.memory_space<vmem>>) target_semaphore(%run_scoped3A : memref<!tpu.dma_semaphore, #tpu.memory_space<semaphore_mem>>)
        %dma_wait3A = arith.constant 0 : i32
        %dma_wait3A_31 = tpu.memref_slice %arg9[%add3A_24, %dma_wait3A] : memref<10240x128xf32, #tpu.memory_space<vmem_shared>> -> memref<128x128xf32, #tpu.memory_space<vmem_shared>>
        %dma_wait3A_32 = arith.constant 0 : i32
        %dma_wait3A_33 = tpu.memref_slice %arg9[%add3A_24, %dma_wait3A_32] : memref<10240x128xf32, #tpu.memory_space<vmem_shared>> -> memref<128x128xf32, #tpu.memory_space<vmem_shared>>
        tpu.wait_dma2 semaphore(%run_scoped3A : memref<!tpu.dma_semaphore, #tpu.memory_space<semaphore_mem>>) src(%dma_wait3A_33 : memref<128x128xf32, #tpu.memory_space<vmem_shared>>) dst(%arg13 : memref<128x128xf32, #tpu.memory_space<vmem>>)
        tpu.yield
      }) : () -> ()
      %mul3A_25 = arith.constant 10240 : i32
      %mul3A_26 = arith.muli %arg0, %mul3A_25 : i32
      %add3A_27 = arith.addi %mul3A_26, %add3A_24 : i32
      "tpu.region"() ({
        %run_scoped3A = tpu.sem_alloc : memref<!tpu.dma_semaphore, #tpu.memory_space<semaphore_mem>>
        %dma_start3A = arith.constant 0 : i32
        %dma_start3A_28 = tpu.memref_slice %arg8[%add3A_27, %dma_start3A] : memref<20480x128xf32, #tpu.memory_space<hbm>> -> memref<128x128xf32, #tpu.memory_space<hbm>>
        %dma_start3A_29 = arith.constant 0 : i32
        %dma_start3A_30 = tpu.memref_slice %arg8[%add3A_27, %dma_start3A_29] : memref<20480x128xf32, #tpu.memory_space<hbm>> -> memref<128x128xf32, #tpu.memory_space<hbm>>
        tpu.enqueue_dma source(%arg13 : memref<128x128xf32, #tpu.memory_space<vmem>>) target(%dma_start3A_30 : memref<128x128xf32, #tpu.memory_space<hbm>>) target_semaphore(%run_scoped3A : memref<!tpu.dma_semaphore, #tpu.memory_space<semaphore_mem>>)
        %dma_wait3A = arith.constant 0 : i32
        %dma_wait3A_31 = tpu.memref_slice %arg8[%add3A_27, %dma_wait3A] : memref<20480x128xf32, #tpu.memory_space<hbm>> -> memref<128x128xf32, #tpu.memory_space<hbm>>
        %dma_wait3A_32 = arith.constant 0 : i32
        %dma_wait3A_33 = tpu.memref_slice %arg8[%add3A_27, %dma_wait3A_32] : memref<20480x128xf32, #tpu.memory_space<hbm>> -> memref<128x128xf32, #tpu.memory_space<hbm>>
        tpu.wait_dma2 semaphore(%run_scoped3A : memref<!tpu.dma_semaphore, #tpu.memory_space<semaphore_mem>>) src(%arg13 : memref<128x128xf32, #tpu.memory_space<vmem>>) dst(%dma_wait3A_33 : memref<128x128xf32, #tpu.memory_space<hbm>>)
        tpu.yield
      }) : () -> ()
    }
    %scan3A_18 = arith.constant 5 : i32
    return
  }
}

#map = affine_map<(d0, d1) -> (0, 0)>
#map1 = affine_map<(d0, d1) -> (0, 0, 0)>
module attributes {stable_mosaic.version = 14 : i64} {
  func.func @_sc_agg_body(%arg0: i32, %arg1: i32, %arg2: memref<10000x128xf32, #tpu.memory_space<hbm>>, %arg3: memref<512x128xf32, #tpu.memory_space<hbm>>, %arg4: memref<32x80x128xi32, #tpu.memory_space<hbm>>, %arg5: memref<32x80x128xi32, #tpu.memory_space<hbm>>, %arg6: memref<32x80x128xi32, #tpu.memory_space<hbm>>, %arg7: memref<128x128xf32, #tpu.memory_space<hbm>>, %arg8: memref<20480x128xf32, #tpu.memory_space<hbm>>, %arg9: memref<10240x128xf32, #tpu.memory_space<vmem_shared>>, %arg10: memref<80x128xi32, #tpu.memory_space<vmem>>, %arg11: memref<80x128xi32, #tpu.memory_space<vmem>>, %arg12: memref<80x128xi32, #tpu.memory_space<vmem>>, %arg13: memref<128x128xf32, #tpu.memory_space<vmem>>, %arg14: memref<!tpu.dma_semaphore, #tpu.memory_space<semaphore_mem>>) attributes {dimension_semantics = [#tpu.dimension_semantics<core_parallel>, #tpu.dimension_semantics<subcore_parallel>], iteration_bounds = array<i64: 2, 16>, scalar_prefetch = 0 : i64, scratch_operands = 6 : i64, tpu.core_type = #tpu.core_type<sc_vector_subcore>, window_params = [{transform_indices = #map}, {transform_indices = #map}, {transform_indices = #map1}, {transform_indices = #map1}, {transform_indices = #map1}, {transform_indices = #map}, {transform_indices = #map}]} {
    %mul3A = arith.constant 16 : i32
    %mul3A_0 = arith.muli %arg0, %mul3A : i32
    %add3A = arith.addi %mul3A_0, %arg1 : i32
    "tpu.region"() ({
      %run_scoped3A = tpu.sem_alloc : memref<!tpu.dma_semaphore, #tpu.memory_space<semaphore_mem>>
      tpu.enqueue_dma source(%arg7 : memref<128x128xf32, #tpu.memory_space<hbm>>) target(%arg13 : memref<128x128xf32, #tpu.memory_space<vmem>>) target_semaphore(%run_scoped3A : memref<!tpu.dma_semaphore, #tpu.memory_space<semaphore_mem>>)
      tpu.wait_dma2 semaphore(%run_scoped3A : memref<!tpu.dma_semaphore, #tpu.memory_space<semaphore_mem>>) src(%arg7 : memref<128x128xf32, #tpu.memory_space<hbm>>) dst(%arg13 : memref<128x128xf32, #tpu.memory_space<vmem>>)
      tpu.yield
    }) : () -> ()
    %scan3A = arith.constant 0 : i32
    %scan3A_1 = arith.constant 0 : i32
    %scan3A_2 = arith.constant 5 : i32
    %scan3A_3 = arith.addi %scan3A_1, %scan3A_2 : i32
    %scan3A_4 = arith.constant 1 : i32
    scf.for %scan3A_19 = %scan3A_1 to %scan3A_3 step %scan3A_4  : i32 {
      %mul3A_20 = arith.constant 640 : i32
      %mul3A_21 = arith.muli %arg1, %mul3A_20 : i32
      %mul3A_22 = arith.constant 128 : i32
      %mul3A_23 = arith.muli %scan3A_19, %mul3A_22 : i32
      %add3A_24 = arith.addi %mul3A_21, %mul3A_23 : i32
      "tpu.region"() ({
        %run_scoped3A = tpu.sem_alloc : memref<!tpu.dma_semaphore, #tpu.memory_space<semaphore_mem>>
        %dma_start3A = arith.constant 0 : i32
        %dma_start3A_25 = tpu.memref_slice %arg9[%add3A_24, %dma_start3A] : memref<10240x128xf32, #tpu.memory_space<vmem_shared>> -> memref<128x128xf32, #tpu.memory_space<vmem_shared>>
        %dma_start3A_26 = arith.constant 0 : i32
        %dma_start3A_27 = tpu.memref_slice %arg9[%add3A_24, %dma_start3A_26] : memref<10240x128xf32, #tpu.memory_space<vmem_shared>> -> memref<128x128xf32, #tpu.memory_space<vmem_shared>>
        tpu.enqueue_dma source(%arg13 : memref<128x128xf32, #tpu.memory_space<vmem>>) target(%dma_start3A_27 : memref<128x128xf32, #tpu.memory_space<vmem_shared>>) target_semaphore(%run_scoped3A : memref<!tpu.dma_semaphore, #tpu.memory_space<semaphore_mem>>)
        %dma_wait3A = arith.constant 0 : i32
        %dma_wait3A_28 = tpu.memref_slice %arg9[%add3A_24, %dma_wait3A] : memref<10240x128xf32, #tpu.memory_space<vmem_shared>> -> memref<128x128xf32, #tpu.memory_space<vmem_shared>>
        %dma_wait3A_29 = arith.constant 0 : i32
        %dma_wait3A_30 = tpu.memref_slice %arg9[%add3A_24, %dma_wait3A_29] : memref<10240x128xf32, #tpu.memory_space<vmem_shared>> -> memref<128x128xf32, #tpu.memory_space<vmem_shared>>
        tpu.wait_dma2 semaphore(%run_scoped3A : memref<!tpu.dma_semaphore, #tpu.memory_space<semaphore_mem>>) src(%arg13 : memref<128x128xf32, #tpu.memory_space<vmem>>) dst(%dma_wait3A_30 : memref<128x128xf32, #tpu.memory_space<vmem_shared>>)
        tpu.yield
      }) : () -> ()
    }
    %scan3A_5 = arith.constant 5 : i32
    "tpu.region"() ({
      %run_scoped3A = tpu.sem_alloc : memref<!tpu.dma_semaphore, #tpu.memory_space<semaphore_mem>>
      %dma_start3A = arith.constant 0 : i32
      %dma_start3A_19 = arith.constant 0 : i32
      %dma_start3A_20 = tpu.memref_slice %arg4[%add3A, %dma_start3A, %dma_start3A_19] : memref<32x80x128xi32, #tpu.memory_space<hbm>> -> memref<1x80x128xi32, #tpu.memory_space<hbm>>
      %dma_start3A_21 = tpu.memref_squeeze %dma_start3A_20 : memref<1x80x128xi32, #tpu.memory_space<hbm>> -> memref<80x128xi32, #tpu.memory_space<hbm>>
      %dma_start3A_22 = arith.constant 0 : i32
      %dma_start3A_23 = arith.constant 0 : i32
      %dma_start3A_24 = tpu.memref_slice %arg4[%add3A, %dma_start3A_22, %dma_start3A_23] : memref<32x80x128xi32, #tpu.memory_space<hbm>> -> memref<1x80x128xi32, #tpu.memory_space<hbm>>
      %dma_start3A_25 = tpu.memref_squeeze %dma_start3A_24 : memref<1x80x128xi32, #tpu.memory_space<hbm>> -> memref<80x128xi32, #tpu.memory_space<hbm>>
      tpu.enqueue_dma source(%dma_start3A_25 : memref<80x128xi32, #tpu.memory_space<hbm>>) target(%arg10 : memref<80x128xi32, #tpu.memory_space<vmem>>) target_semaphore(%run_scoped3A : memref<!tpu.dma_semaphore, #tpu.memory_space<semaphore_mem>>)
      %dma_wait3A = arith.constant 0 : i32
      %dma_wait3A_26 = arith.constant 0 : i32
      %dma_wait3A_27 = tpu.memref_slice %arg4[%add3A, %dma_wait3A, %dma_wait3A_26] : memref<32x80x128xi32, #tpu.memory_space<hbm>> -> memref<1x80x128xi32, #tpu.memory_space<hbm>>
      %dma_wait3A_28 = tpu.memref_squeeze %dma_wait3A_27 : memref<1x80x128xi32, #tpu.memory_space<hbm>> -> memref<80x128xi32, #tpu.memory_space<hbm>>
      %dma_wait3A_29 = arith.constant 0 : i32
      %dma_wait3A_30 = arith.constant 0 : i32
      %dma_wait3A_31 = tpu.memref_slice %arg4[%add3A, %dma_wait3A_29, %dma_wait3A_30] : memref<32x80x128xi32, #tpu.memory_space<hbm>> -> memref<1x80x128xi32, #tpu.memory_space<hbm>>
      %dma_wait3A_32 = tpu.memref_squeeze %dma_wait3A_31 : memref<1x80x128xi32, #tpu.memory_space<hbm>> -> memref<80x128xi32, #tpu.memory_space<hbm>>
      tpu.wait_dma2 semaphore(%run_scoped3A : memref<!tpu.dma_semaphore, #tpu.memory_space<semaphore_mem>>) src(%dma_wait3A_32 : memref<80x128xi32, #tpu.memory_space<hbm>>) dst(%arg10 : memref<80x128xi32, #tpu.memory_space<vmem>>)
      tpu.yield
    }) : () -> ()
    "tpu.region"() ({
      %run_scoped3A = tpu.sem_alloc : memref<!tpu.dma_semaphore, #tpu.memory_space<semaphore_mem>>
      %dma_start3A = arith.constant 0 : i32
      %dma_start3A_19 = arith.constant 0 : i32
      %dma_start3A_20 = tpu.memref_slice %arg5[%add3A, %dma_start3A, %dma_start3A_19] : memref<32x80x128xi32, #tpu.memory_space<hbm>> -> memref<1x80x128xi32, #tpu.memory_space<hbm>>
      %dma_start3A_21 = tpu.memref_squeeze %dma_start3A_20 : memref<1x80x128xi32, #tpu.memory_space<hbm>> -> memref<80x128xi32, #tpu.memory_space<hbm>>
      %dma_start3A_22 = arith.constant 0 : i32
      %dma_start3A_23 = arith.constant 0 : i32
      %dma_start3A_24 = tpu.memref_slice %arg5[%add3A, %dma_start3A_22, %dma_start3A_23] : memref<32x80x128xi32, #tpu.memory_space<hbm>> -> memref<1x80x128xi32, #tpu.memory_space<hbm>>
      %dma_start3A_25 = tpu.memref_squeeze %dma_start3A_24 : memref<1x80x128xi32, #tpu.memory_space<hbm>> -> memref<80x128xi32, #tpu.memory_space<hbm>>
      tpu.enqueue_dma source(%dma_start3A_25 : memref<80x128xi32, #tpu.memory_space<hbm>>) target(%arg11 : memref<80x128xi32, #tpu.memory_space<vmem>>) target_semaphore(%run_scoped3A : memref<!tpu.dma_semaphore, #tpu.memory_space<semaphore_mem>>)
      %dma_wait3A = arith.constant 0 : i32
      %dma_wait3A_26 = arith.constant 0 : i32
      %dma_wait3A_27 = tpu.memref_slice %arg5[%add3A, %dma_wait3A, %dma_wait3A_26] : memref<32x80x128xi32, #tpu.memory_space<hbm>> -> memref<1x80x128xi32, #tpu.memory_space<hbm>>
      %dma_wait3A_28 = tpu.memref_squeeze %dma_wait3A_27 : memref<1x80x128xi32, #tpu.memory_space<hbm>> -> memref<80x128xi32, #tpu.memory_space<hbm>>
      %dma_wait3A_29 = arith.constant 0 : i32
      %dma_wait3A_30 = arith.constant 0 : i32
      %dma_wait3A_31 = tpu.memref_slice %arg5[%add3A, %dma_wait3A_29, %dma_wait3A_30] : memref<32x80x128xi32, #tpu.memory_space<hbm>> -> memref<1x80x128xi32, #tpu.memory_space<hbm>>
      %dma_wait3A_32 = tpu.memref_squeeze %dma_wait3A_31 : memref<1x80x128xi32, #tpu.memory_space<hbm>> -> memref<80x128xi32, #tpu.memory_space<hbm>>
      tpu.wait_dma2 semaphore(%run_scoped3A : memref<!tpu.dma_semaphore, #tpu.memory_space<semaphore_mem>>) src(%dma_wait3A_32 : memref<80x128xi32, #tpu.memory_space<hbm>>) dst(%arg11 : memref<80x128xi32, #tpu.memory_space<vmem>>)
      tpu.yield
    }) : () -> ()
    "tpu.region"() ({
      %run_scoped3A = tpu.sem_alloc : memref<!tpu.dma_semaphore, #tpu.memory_space<semaphore_mem>>
      %dma_start3A = arith.constant 0 : i32
      %dma_start3A_19 = arith.constant 0 : i32
      %dma_start3A_20 = tpu.memref_slice %arg6[%add3A, %dma_start3A, %dma_start3A_19] : memref<32x80x128xi32, #tpu.memory_space<hbm>> -> memref<1x80x128xi32, #tpu.memory_space<hbm>>
      %dma_start3A_21 = tpu.memref_squeeze %dma_start3A_20 : memref<1x80x128xi32, #tpu.memory_space<hbm>> -> memref<80x128xi32, #tpu.memory_space<hbm>>
      %dma_start3A_22 = arith.constant 0 : i32
      %dma_start3A_23 = arith.constant 0 : i32
      %dma_start3A_24 = tpu.memref_slice %arg6[%add3A, %dma_start3A_22, %dma_start3A_23] : memref<32x80x128xi32, #tpu.memory_space<hbm>> -> memref<1x80x128xi32, #tpu.memory_space<hbm>>
      %dma_start3A_25 = tpu.memref_squeeze %dma_start3A_24 : memref<1x80x128xi32, #tpu.memory_space<hbm>> -> memref<80x128xi32, #tpu.memory_space<hbm>>
      tpu.enqueue_dma source(%dma_start3A_25 : memref<80x128xi32, #tpu.memory_space<hbm>>) target(%arg12 : memref<80x128xi32, #tpu.memory_space<vmem>>) target_semaphore(%run_scoped3A : memref<!tpu.dma_semaphore, #tpu.memory_space<semaphore_mem>>)
      %dma_wait3A = arith.constant 0 : i32
      %dma_wait3A_26 = arith.constant 0 : i32
      %dma_wait3A_27 = tpu.memref_slice %arg6[%add3A, %dma_wait3A, %dma_wait3A_26] : memref<32x80x128xi32, #tpu.memory_space<hbm>> -> memref<1x80x128xi32, #tpu.memory_space<hbm>>
      %dma_wait3A_28 = tpu.memref_squeeze %dma_wait3A_27 : memref<1x80x128xi32, #tpu.memory_space<hbm>> -> memref<80x128xi32, #tpu.memory_space<hbm>>
      %dma_wait3A_29 = arith.constant 0 : i32
      %dma_wait3A_30 = arith.constant 0 : i32
      %dma_wait3A_31 = tpu.memref_slice %arg6[%add3A, %dma_wait3A_29, %dma_wait3A_30] : memref<32x80x128xi32, #tpu.memory_space<hbm>> -> memref<1x80x128xi32, #tpu.memory_space<hbm>>
      %dma_wait3A_32 = tpu.memref_squeeze %dma_wait3A_31 : memref<1x80x128xi32, #tpu.memory_space<hbm>> -> memref<80x128xi32, #tpu.memory_space<hbm>>
      tpu.wait_dma2 semaphore(%run_scoped3A : memref<!tpu.dma_semaphore, #tpu.memory_space<semaphore_mem>>) src(%dma_wait3A_32 : memref<80x128xi32, #tpu.memory_space<hbm>>) dst(%arg12 : memref<80x128xi32, #tpu.memory_space<vmem>>)
      tpu.yield
    }) : () -> ()
    %barrier3A = arith.constant 0 : index
    tpu.barrier barrier_id(%barrier3A)
    %scan3A_6 = arith.constant 0 : i32
    %scan3A_7 = arith.constant 0 : i32
    %scan3A_8 = arith.constant 80 : i32
    %scan3A_9 = arith.addi %scan3A_7, %scan3A_8 : i32
    %scan3A_10 = arith.constant 1 : i32
    scf.for %scan3A_19 = %scan3A_7 to %scan3A_9 step %scan3A_10  : i32 {
      %dma_start3A = arith.constant 0 : i32
      %dma_start3A_20 = tpu.memref_slice %arg11[%scan3A_19, %dma_start3A] : memref<80x128xi32, #tpu.memory_space<vmem>> -> memref<1x128xi32, #tpu.memory_space<vmem>>
      %dma_start3A_21 = tpu.memref_squeeze %dma_start3A_20 : memref<1x128xi32, #tpu.memory_space<vmem>> -> memref<128xi32, #tpu.memory_space<vmem>>
      %dma_start3A_22 = arith.constant 0 : i32
      %dma_start3A_23 = arith.constant 0 : i32
      %dma_start3A_24 = tpu.memref_slice %arg3[%dma_start3A_22, %dma_start3A_23] : memref<512x128xf32, #tpu.memory_space<hbm>> -> memref<512x128xf32, #tpu.memory_space<hbm>>
      tpu.enqueue_indirect_dma source(%dma_start3A_24 : memref<512x128xf32, #tpu.memory_space<hbm>>) target(%arg13 : memref<128x128xf32, #tpu.memory_space<vmem>>) offsets(%dma_start3A_21 : memref<128xi32, #tpu.memory_space<vmem>>) semaphore(%arg14 : memref<!tpu.dma_semaphore, #tpu.memory_space<semaphore_mem>>)
      %dma_wait3A = arith.constant 0 : i32
      %dma_wait3A_25 = tpu.memref_slice %arg11[%scan3A_19, %dma_wait3A] : memref<80x128xi32, #tpu.memory_space<vmem>> -> memref<1x128xi32, #tpu.memory_space<vmem>>
      %dma_wait3A_26 = tpu.memref_squeeze %dma_wait3A_25 : memref<1x128xi32, #tpu.memory_space<vmem>> -> memref<128xi32, #tpu.memory_space<vmem>>
      %dma_wait3A_27 = arith.constant 0 : i32
      %dma_wait3A_28 = arith.constant 0 : i32
      %dma_wait3A_29 = tpu.memref_slice %arg3[%dma_wait3A_27, %dma_wait3A_28] : memref<512x128xf32, #tpu.memory_space<hbm>> -> memref<512x128xf32, #tpu.memory_space<hbm>>
      tpu.wait_indirect_dma semaphore(%arg14 : memref<!tpu.dma_semaphore, #tpu.memory_space<semaphore_mem>>) src(%dma_wait3A_29 : memref<512x128xf32, #tpu.memory_space<hbm>>) dst(%arg13 : memref<128x128xf32, #tpu.memory_space<vmem>>)
      %dma_start3A_30 = arith.constant 0 : i32
      %dma_start3A_31 = tpu.memref_slice %arg10[%scan3A_19, %dma_start3A_30] : memref<80x128xi32, #tpu.memory_space<vmem>> -> memref<1x128xi32, #tpu.memory_space<vmem>>
      %dma_start3A_32 = tpu.memref_squeeze %dma_start3A_31 : memref<1x128xi32, #tpu.memory_space<vmem>> -> memref<128xi32, #tpu.memory_space<vmem>>
      %dma_start3A_33 = arith.constant 0 : i32
      %dma_start3A_34 = arith.constant 0 : i32
      %dma_start3A_35 = tpu.memref_slice %arg2[%dma_start3A_33, %dma_start3A_34] : memref<10000x128xf32, #tpu.memory_space<hbm>> -> memref<10000x128xf32, #tpu.memory_space<hbm>>
      tpu.enqueue_indirect_dma source(%dma_start3A_35 : memref<10000x128xf32, #tpu.memory_space<hbm>>) target(%arg13 : memref<128x128xf32, #tpu.memory_space<vmem>>) offsets(%dma_start3A_32 : memref<128xi32, #tpu.memory_space<vmem>>) semaphore(%arg14 : memref<!tpu.dma_semaphore, #tpu.memory_space<semaphore_mem>>) {add = true}
      %dma_wait3A_36 = arith.constant 0 : i32
      %dma_wait3A_37 = tpu.memref_slice %arg10[%scan3A_19, %dma_wait3A_36] : memref<80x128xi32, #tpu.memory_space<vmem>> -> memref<1x128xi32, #tpu.memory_space<vmem>>
      %dma_wait3A_38 = tpu.memref_squeeze %dma_wait3A_37 : memref<1x128xi32, #tpu.memory_space<vmem>> -> memref<128xi32, #tpu.memory_space<vmem>>
      %dma_wait3A_39 = arith.constant 0 : i32
      %dma_wait3A_40 = arith.constant 0 : i32
      %dma_wait3A_41 = tpu.memref_slice %arg2[%dma_wait3A_39, %dma_wait3A_40] : memref<10000x128xf32, #tpu.memory_space<hbm>> -> memref<10000x128xf32, #tpu.memory_space<hbm>>
      tpu.wait_indirect_dma semaphore(%arg14 : memref<!tpu.dma_semaphore, #tpu.memory_space<semaphore_mem>>) src(%dma_wait3A_41 : memref<10000x128xf32, #tpu.memory_space<hbm>>) dst(%arg13 : memref<128x128xf32, #tpu.memory_space<vmem>>)
      %scan3A_42 = arith.constant 0 : i32
      %scan3A_43 = arith.constant 0 : i32
      %scan3A_44 = arith.constant 128 : i32
      %scan3A_45 = arith.addi %scan3A_43, %scan3A_44 : i32
      %scan3A_46 = arith.constant 1 : i32
      scf.for %scan3A_48 = %scan3A_43 to %scan3A_45 step %scan3A_46  : i32 {
        %get3A = arith.index_cast %scan3A_48 : i32 to index
        %get3A_49 = arith.constant 0 : index
        %get3A_50 = tpu.vector_load %arg13[%get3A, %get3A_49] {strides = array<i32>} : memref<128x128xf32, #tpu.memory_space<vmem>>, vector<1x16xf32>,
        %get3A_51 = vector.shape_cast %get3A_50 : vector<1x16xf32> to vector<16xf32>
        %max3A = arith.constant 0.000000e+00 : f32
        %max3A_52 = vector.broadcast %max3A : f32 to vector<16xf32>
        %max3A_53 = arith.maximumf %get3A_51, %max3A_52 : vector<16xf32>
        %swap3A = arith.index_cast %scan3A_48 : i32 to index
        %swap3A_54 = arith.constant 0 : index
        %swap3A_55 = tpu.vector_load %arg13[%swap3A, %swap3A_54] {strides = array<i32>} : memref<128x128xf32, #tpu.memory_space<vmem>>, vector<1x16xf32>,
        %swap3A_56 = vector.shape_cast %swap3A_55 : vector<1x16xf32> to vector<16xf32>
        %swap3A_57 = vector.shape_cast %max3A_53 : vector<16xf32> to vector<1x16xf32>
        tpu.vector_store %arg13[%swap3A, %swap3A_54], %swap3A_57 {strides = array<i32>} : memref<128x128xf32, #tpu.memory_space<vmem>>, vector<1x16xf32>,
        %get3A_58 = arith.index_cast %scan3A_48 : i32 to index
        %get3A_59 = arith.constant 16 : index
        %get3A_60 = tpu.vector_load %arg13[%get3A_58, %get3A_59] {strides = array<i32>} : memref<128x128xf32, #tpu.memory_space<vmem>>, vector<1x16xf32>,
        %get3A_61 = vector.shape_cast %get3A_60 : vector<1x16xf32> to vector<16xf32>
        %max3A_62 = arith.constant 0.000000e+00 : f32
        %max3A_63 = vector.broadcast %max3A_62 : f32 to vector<16xf32>
        %max3A_64 = arith.maximumf %get3A_61, %max3A_63 : vector<16xf32>
        %swap3A_65 = arith.index_cast %scan3A_48 : i32 to index
        %swap3A_66 = arith.constant 16 : index
        %swap3A_67 = tpu.vector_load %arg13[%swap3A_65, %swap3A_66] {strides = array<i32>} : memref<128x128xf32, #tpu.memory_space<vmem>>, vector<1x16xf32>,
        %swap3A_68 = vector.shape_cast %swap3A_67 : vector<1x16xf32> to vector<16xf32>
        %swap3A_69 = vector.shape_cast %max3A_64 : vector<16xf32> to vector<1x16xf32>
        tpu.vector_store %arg13[%swap3A_65, %swap3A_66], %swap3A_69 {strides = array<i32>} : memref<128x128xf32, #tpu.memory_space<vmem>>, vector<1x16xf32>,
        %get3A_70 = arith.index_cast %scan3A_48 : i32 to index
        %get3A_71 = arith.constant 32 : index
        %get3A_72 = tpu.vector_load %arg13[%get3A_70, %get3A_71] {strides = array<i32>} : memref<128x128xf32, #tpu.memory_space<vmem>>, vector<1x16xf32>,
        %get3A_73 = vector.shape_cast %get3A_72 : vector<1x16xf32> to vector<16xf32>
        %max3A_74 = arith.constant 0.000000e+00 : f32
        %max3A_75 = vector.broadcast %max3A_74 : f32 to vector<16xf32>
        %max3A_76 = arith.maximumf %get3A_73, %max3A_75 : vector<16xf32>
        %swap3A_77 = arith.index_cast %scan3A_48 : i32 to index
        %swap3A_78 = arith.constant 32 : index
        %swap3A_79 = tpu.vector_load %arg13[%swap3A_77, %swap3A_78] {strides = array<i32>} : memref<128x128xf32, #tpu.memory_space<vmem>>, vector<1x16xf32>,
        %swap3A_80 = vector.shape_cast %swap3A_79 : vector<1x16xf32> to vector<16xf32>
        %swap3A_81 = vector.shape_cast %max3A_76 : vector<16xf32> to vector<1x16xf32>
        tpu.vector_store %arg13[%swap3A_77, %swap3A_78], %swap3A_81 {strides = array<i32>} : memref<128x128xf32, #tpu.memory_space<vmem>>, vector<1x16xf32>,
        %get3A_82 = arith.index_cast %scan3A_48 : i32 to index
        %get3A_83 = arith.constant 48 : index
        %get3A_84 = tpu.vector_load %arg13[%get3A_82, %get3A_83] {strides = array<i32>} : memref<128x128xf32, #tpu.memory_space<vmem>>, vector<1x16xf32>,
        %get3A_85 = vector.shape_cast %get3A_84 : vector<1x16xf32> to vector<16xf32>
        %max3A_86 = arith.constant 0.000000e+00 : f32
        %max3A_87 = vector.broadcast %max3A_86 : f32 to vector<16xf32>
        %max3A_88 = arith.maximumf %get3A_85, %max3A_87 : vector<16xf32>
        %swap3A_89 = arith.index_cast %scan3A_48 : i32 to index
        %swap3A_90 = arith.constant 48 : index
        %swap3A_91 = tpu.vector_load %arg13[%swap3A_89, %swap3A_90] {strides = array<i32>} : memref<128x128xf32, #tpu.memory_space<vmem>>, vector<1x16xf32>,
        %swap3A_92 = vector.shape_cast %swap3A_91 : vector<1x16xf32> to vector<16xf32>
        %swap3A_93 = vector.shape_cast %max3A_88 : vector<16xf32> to vector<1x16xf32>
        tpu.vector_store %arg13[%swap3A_89, %swap3A_90], %swap3A_93 {strides = array<i32>} : memref<128x128xf32, #tpu.memory_space<vmem>>, vector<1x16xf32>,
        %get3A_94 = arith.index_cast %scan3A_48 : i32 to index
        %get3A_95 = arith.constant 64 : index
        %get3A_96 = tpu.vector_load %arg13[%get3A_94, %get3A_95] {strides = array<i32>} : memref<128x128xf32, #tpu.memory_space<vmem>>, vector<1x16xf32>,
        %get3A_97 = vector.shape_cast %get3A_96 : vector<1x16xf32> to vector<16xf32>
        %max3A_98 = arith.constant 0.000000e+00 : f32
        %max3A_99 = vector.broadcast %max3A_98 : f32 to vector<16xf32>
        %max3A_100 = arith.maximumf %get3A_97, %max3A_99 : vector<16xf32>
        %swap3A_101 = arith.index_cast %scan3A_48 : i32 to index
        %swap3A_102 = arith.constant 64 : index
        %swap3A_103 = tpu.vector_load %arg13[%swap3A_101, %swap3A_102] {strides = array<i32>} : memref<128x128xf32, #tpu.memory_space<vmem>>, vector<1x16xf32>,
        %swap3A_104 = vector.shape_cast %swap3A_103 : vector<1x16xf32> to vector<16xf32>
        %swap3A_105 = vector.shape_cast %max3A_100 : vector<16xf32> to vector<1x16xf32>
        tpu.vector_store %arg13[%swap3A_101, %swap3A_102], %swap3A_105 {strides = array<i32>} : memref<128x128xf32, #tpu.memory_space<vmem>>, vector<1x16xf32>,
        %get3A_106 = arith.index_cast %scan3A_48 : i32 to index
        %get3A_107 = arith.constant 80 : index
        %get3A_108 = tpu.vector_load %arg13[%get3A_106, %get3A_107] {strides = array<i32>} : memref<128x128xf32, #tpu.memory_space<vmem>>, vector<1x16xf32>,
        %get3A_109 = vector.shape_cast %get3A_108 : vector<1x16xf32> to vector<16xf32>
        %max3A_110 = arith.constant 0.000000e+00 : f32
        %max3A_111 = vector.broadcast %max3A_110 : f32 to vector<16xf32>
        %max3A_112 = arith.maximumf %get3A_109, %max3A_111 : vector<16xf32>
        %swap3A_113 = arith.index_cast %scan3A_48 : i32 to index
        %swap3A_114 = arith.constant 80 : index
        %swap3A_115 = tpu.vector_load %arg13[%swap3A_113, %swap3A_114] {strides = array<i32>} : memref<128x128xf32, #tpu.memory_space<vmem>>, vector<1x16xf32>,
        %swap3A_116 = vector.shape_cast %swap3A_115 : vector<1x16xf32> to vector<16xf32>
        %swap3A_117 = vector.shape_cast %max3A_112 : vector<16xf32> to vector<1x16xf32>
        tpu.vector_store %arg13[%swap3A_113, %swap3A_114], %swap3A_117 {strides = array<i32>} : memref<128x128xf32, #tpu.memory_space<vmem>>, vector<1x16xf32>,
        %get3A_118 = arith.index_cast %scan3A_48 : i32 to index
        %get3A_119 = arith.constant 96 : index
        %get3A_120 = tpu.vector_load %arg13[%get3A_118, %get3A_119] {strides = array<i32>} : memref<128x128xf32, #tpu.memory_space<vmem>>, vector<1x16xf32>,
        %get3A_121 = vector.shape_cast %get3A_120 : vector<1x16xf32> to vector<16xf32>
        %max3A_122 = arith.constant 0.000000e+00 : f32
        %max3A_123 = vector.broadcast %max3A_122 : f32 to vector<16xf32>
        %max3A_124 = arith.maximumf %get3A_121, %max3A_123 : vector<16xf32>
        %swap3A_125 = arith.index_cast %scan3A_48 : i32 to index
        %swap3A_126 = arith.constant 96 : index
        %swap3A_127 = tpu.vector_load %arg13[%swap3A_125, %swap3A_126] {strides = array<i32>} : memref<128x128xf32, #tpu.memory_space<vmem>>, vector<1x16xf32>,
        %swap3A_128 = vector.shape_cast %swap3A_127 : vector<1x16xf32> to vector<16xf32>
        %swap3A_129 = vector.shape_cast %max3A_124 : vector<16xf32> to vector<1x16xf32>
        tpu.vector_store %arg13[%swap3A_125, %swap3A_126], %swap3A_129 {strides = array<i32>} : memref<128x128xf32, #tpu.memory_space<vmem>>, vector<1x16xf32>,
        %get3A_130 = arith.index_cast %scan3A_48 : i32 to index
        %get3A_131 = arith.constant 112 : index
        %get3A_132 = tpu.vector_load %arg13[%get3A_130, %get3A_131] {strides = array<i32>} : memref<128x128xf32, #tpu.memory_space<vmem>>, vector<1x16xf32>,
        %get3A_133 = vector.shape_cast %get3A_132 : vector<1x16xf32> to vector<16xf32>
        %max3A_134 = arith.constant 0.000000e+00 : f32
        %max3A_135 = vector.broadcast %max3A_134 : f32 to vector<16xf32>
        %max3A_136 = arith.maximumf %get3A_133, %max3A_135 : vector<16xf32>
        %swap3A_137 = arith.index_cast %scan3A_48 : i32 to index
        %swap3A_138 = arith.constant 112 : index
        %swap3A_139 = tpu.vector_load %arg13[%swap3A_137, %swap3A_138] {strides = array<i32>} : memref<128x128xf32, #tpu.memory_space<vmem>>, vector<1x16xf32>,
        %swap3A_140 = vector.shape_cast %swap3A_139 : vector<1x16xf32> to vector<16xf32>
        %swap3A_141 = vector.shape_cast %max3A_136 : vector<16xf32> to vector<1x16xf32>
        tpu.vector_store %arg13[%swap3A_137, %swap3A_138], %swap3A_141 {strides = array<i32>} : memref<128x128xf32, #tpu.memory_space<vmem>>, vector<1x16xf32>,
      }
      %scan3A_47 = arith.constant 128 : i32
      "tpu.region"() ({
        %run_scoped3A = tpu.sem_alloc : memref<!tpu.dma_semaphore, #tpu.memory_space<semaphore_mem>>
        %dma_start3A_48 = arith.constant 0 : i32
        %dma_start3A_49 = tpu.memref_slice %arg12[%scan3A_19, %dma_start3A_48] : memref<80x128xi32, #tpu.memory_space<vmem>> -> memref<1x128xi32, #tpu.memory_space<vmem>>
        %dma_start3A_50 = tpu.memref_squeeze %dma_start3A_49 : memref<1x128xi32, #tpu.memory_space<vmem>> -> memref<128xi32, #tpu.memory_space<vmem>>
        %dma_start3A_51 = arith.constant 0 : i32
        %dma_start3A_52 = arith.constant 0 : i32
        %dma_start3A_53 = tpu.memref_slice %arg9[%dma_start3A_51, %dma_start3A_52] : memref<10240x128xf32, #tpu.memory_space<vmem_shared>> -> memref<10240x128xf32, #tpu.memory_space<vmem_shared>>
        tpu.enqueue_indirect_dma source(%arg13 : memref<128x128xf32, #tpu.memory_space<vmem>>) target(%dma_start3A_53 : memref<10240x128xf32, #tpu.memory_space<vmem_shared>>) offsets(%dma_start3A_50 : memref<128xi32, #tpu.memory_space<vmem>>) semaphore(%run_scoped3A : memref<!tpu.dma_semaphore, #tpu.memory_space<semaphore_mem>>) {add = true}
        %dma_wait3A_54 = arith.constant 0 : i32
        %dma_wait3A_55 = tpu.memref_slice %arg12[%scan3A_19, %dma_wait3A_54] : memref<80x128xi32, #tpu.memory_space<vmem>> -> memref<1x128xi32, #tpu.memory_space<vmem>>
        %dma_wait3A_56 = tpu.memref_squeeze %dma_wait3A_55 : memref<1x128xi32, #tpu.memory_space<vmem>> -> memref<128xi32, #tpu.memory_space<vmem>>
        %dma_wait3A_57 = arith.constant 0 : i32
        %dma_wait3A_58 = arith.constant 0 : i32
        %dma_wait3A_59 = tpu.memref_slice %arg9[%dma_wait3A_57, %dma_wait3A_58] : memref<10240x128xf32, #tpu.memory_space<vmem_shared>> -> memref<10240x128xf32, #tpu.memory_space<vmem_shared>>
        tpu.wait_indirect_dma semaphore(%run_scoped3A : memref<!tpu.dma_semaphore, #tpu.memory_space<semaphore_mem>>) src(%arg13 : memref<128x128xf32, #tpu.memory_space<vmem>>) dst(%dma_wait3A_59 : memref<10240x128xf32, #tpu.memory_space<vmem_shared>>)
        tpu.yield
      }) : () -> ()
    }
    %scan3A_11 = arith.constant 80 : i32
    %barrier3A_12 = arith.constant 0 : index
    tpu.barrier barrier_id(%barrier3A_12)
    %scan3A_13 = arith.constant 0 : i32
    %scan3A_14 = arith.constant 0 : i32
    %scan3A_15 = arith.constant 5 : i32
    %scan3A_16 = arith.addi %scan3A_14, %scan3A_15 : i32
    %scan3A_17 = arith.constant 1 : i32
    scf.for %scan3A_19 = %scan3A_14 to %scan3A_16 step %scan3A_17  : i32 {
      %mul3A_20 = arith.constant 640 : i32
      %mul3A_21 = arith.muli %arg1, %mul3A_20 : i32
      %mul3A_22 = arith.constant 128 : i32
      %mul3A_23 = arith.muli %scan3A_19, %mul3A_22 : i32
      %add3A_24 = arith.addi %mul3A_21, %mul3A_23 : i32
      "tpu.region"() ({
        %run_scoped3A = tpu.sem_alloc : memref<!tpu.dma_semaphore, #tpu.memory_space<semaphore_mem>>
        %dma_start3A = arith.constant 0 : i32
        %dma_start3A_28 = tpu.memref_slice %arg9[%add3A_24, %dma_start3A] : memref<10240x128xf32, #tpu.memory_space<vmem_shared>> -> memref<128x128xf32, #tpu.memory_space<vmem_shared>>
        %dma_start3A_29 = arith.constant 0 : i32
        %dma_start3A_30 = tpu.memref_slice %arg9[%add3A_24, %dma_start3A_29] : memref<10240x128xf32, #tpu.memory_space<vmem_shared>> -> memref<128x128xf32, #tpu.memory_space<vmem_shared>>
        tpu.enqueue_dma source(%dma_start3A_30 : memref<128x128xf32, #tpu.memory_space<vmem_shared>>) target(%arg13 : memref<128x128xf32, #tpu.memory_space<vmem>>) target_semaphore(%run_scoped3A : memref<!tpu.dma_semaphore, #tpu.memory_space<semaphore_mem>>)
        %dma_wait3A = arith.constant 0 : i32
        %dma_wait3A_31 = tpu.memref_slice %arg9[%add3A_24, %dma_wait3A] : memref<10240x128xf32, #tpu.memory_space<vmem_shared>> -> memref<128x128xf32, #tpu.memory_space<vmem_shared>>
        %dma_wait3A_32 = arith.constant 0 : i32
        %dma_wait3A_33 = tpu.memref_slice %arg9[%add3A_24, %dma_wait3A_32] : memref<10240x128xf32, #tpu.memory_space<vmem_shared>> -> memref<128x128xf32, #tpu.memory_space<vmem_shared>>
        tpu.wait_dma2 semaphore(%run_scoped3A : memref<!tpu.dma_semaphore, #tpu.memory_space<semaphore_mem>>) src(%dma_wait3A_33 : memref<128x128xf32, #tpu.memory_space<vmem_shared>>) dst(%arg13 : memref<128x128xf32, #tpu.memory_space<vmem>>)
        tpu.yield
      }) : () -> ()
      %mul3A_25 = arith.constant 10240 : i32
      %mul3A_26 = arith.muli %arg0, %mul3A_25 : i32
      %add3A_27 = arith.addi %mul3A_26, %add3A_24 : i32
      "tpu.region"() ({
        %run_scoped3A = tpu.sem_alloc : memref<!tpu.dma_semaphore, #tpu.memory_space<semaphore_mem>>
        %dma_start3A = arith.constant 0 : i32
        %dma_start3A_28 = tpu.memref_slice %arg8[%add3A_27, %dma_start3A] : memref<20480x128xf32, #tpu.memory_space<hbm>> -> memref<128x128xf32, #tpu.memory_space<hbm>>
        %dma_start3A_29 = arith.constant 0 : i32
        %dma_start3A_30 = tpu.memref_slice %arg8[%add3A_27, %dma_start3A_29] : memref<20480x128xf32, #tpu.memory_space<hbm>> -> memref<128x128xf32, #tpu.memory_space<hbm>>
        tpu.enqueue_dma source(%arg13 : memref<128x128xf32, #tpu.memory_space<vmem>>) target(%dma_start3A_30 : memref<128x128xf32, #tpu.memory_space<hbm>>) target_semaphore(%run_scoped3A : memref<!tpu.dma_semaphore, #tpu.memory_space<semaphore_mem>>)
        %dma_wait3A = arith.constant 0 : i32
        %dma_wait3A_31 = tpu.memref_slice %arg8[%add3A_27, %dma_wait3A] : memref<20480x128xf32, #tpu.memory_space<hbm>> -> memref<128x128xf32, #tpu.memory_space<hbm>>
        %dma_wait3A_32 = arith.constant 0 : i32
        %dma_wait3A_33 = tpu.memref_slice %arg8[%add3A_27, %dma_wait3A_32] : memref<20480x128xf32, #tpu.memory_space<hbm>> -> memref<128x128xf32, #tpu.memory_space<hbm>>
        tpu.wait_dma2 semaphore(%run_scoped3A : memref<!tpu.dma_semaphore, #tpu.memory_space<semaphore_mem>>) src(%arg13 : memref<128x128xf32, #tpu.memory_space<vmem>>) dst(%dma_wait3A_33 : memref<128x128xf32, #tpu.memory_space<hbm>>)
        tpu.yield
      }) : () -> ()
    }
    %scan3A_18 = arith.constant 5 : i32
    return
  }
}

#map = affine_map<(d0, d1) -> (0, 0)>
#map1 = affine_map<(d0, d1) -> (0, 0, 0)>
module attributes {stable_mosaic.version = 14 : i64} {
  func.func @_sc_agg_body(%arg0: i32, %arg1: i32, %arg2: memref<10000x128xf32, #tpu.memory_space<hbm>>, %arg3: memref<512x128xf32, #tpu.memory_space<hbm>>, %arg4: memref<32x80x128xi32, #tpu.memory_space<hbm>>, %arg5: memref<32x80x128xi32, #tpu.memory_space<hbm>>, %arg6: memref<32x80x128xi32, #tpu.memory_space<hbm>>, %arg7: memref<128x128xf32, #tpu.memory_space<hbm>>, %arg8: memref<20480x128xf32, #tpu.memory_space<hbm>>, %arg9: memref<10240x128xf32, #tpu.memory_space<vmem_shared>>, %arg10: memref<80x128xi32, #tpu.memory_space<vmem>>, %arg11: memref<80x128xi32, #tpu.memory_space<vmem>>, %arg12: memref<80x128xi32, #tpu.memory_space<vmem>>, %arg13: memref<128x128xf32, #tpu.memory_space<vmem>>, %arg14: memref<!tpu.dma_semaphore, #tpu.memory_space<semaphore_mem>>) attributes {dimension_semantics = [#tpu.dimension_semantics<core_parallel>, #tpu.dimension_semantics<subcore_parallel>], iteration_bounds = array<i64: 2, 16>, scalar_prefetch = 0 : i64, scratch_operands = 6 : i64, tpu.core_type = #tpu.core_type<sc_vector_subcore>, window_params = [{transform_indices = #map}, {transform_indices = #map}, {transform_indices = #map1}, {transform_indices = #map1}, {transform_indices = #map1}, {transform_indices = #map}, {transform_indices = #map}]} {
    %mul3A = arith.constant 16 : i32
    %mul3A_0 = arith.muli %arg0, %mul3A : i32
    %add3A = arith.addi %mul3A_0, %arg1 : i32
    "tpu.region"() ({
      %run_scoped3A = tpu.sem_alloc : memref<!tpu.dma_semaphore, #tpu.memory_space<semaphore_mem>>
      tpu.enqueue_dma source(%arg7 : memref<128x128xf32, #tpu.memory_space<hbm>>) target(%arg13 : memref<128x128xf32, #tpu.memory_space<vmem>>) target_semaphore(%run_scoped3A : memref<!tpu.dma_semaphore, #tpu.memory_space<semaphore_mem>>)
      tpu.wait_dma2 semaphore(%run_scoped3A : memref<!tpu.dma_semaphore, #tpu.memory_space<semaphore_mem>>) src(%arg7 : memref<128x128xf32, #tpu.memory_space<hbm>>) dst(%arg13 : memref<128x128xf32, #tpu.memory_space<vmem>>)
      tpu.yield
    }) : () -> ()
    %scan3A = arith.constant 0 : i32
    %scan3A_1 = arith.constant 0 : i32
    %scan3A_2 = arith.constant 5 : i32
    %scan3A_3 = arith.addi %scan3A_1, %scan3A_2 : i32
    %scan3A_4 = arith.constant 1 : i32
    scf.for %scan3A_19 = %scan3A_1 to %scan3A_3 step %scan3A_4  : i32 {
      %mul3A_20 = arith.constant 640 : i32
      %mul3A_21 = arith.muli %arg1, %mul3A_20 : i32
      %mul3A_22 = arith.constant 128 : i32
      %mul3A_23 = arith.muli %scan3A_19, %mul3A_22 : i32
      %add3A_24 = arith.addi %mul3A_21, %mul3A_23 : i32
      "tpu.region"() ({
        %run_scoped3A = tpu.sem_alloc : memref<!tpu.dma_semaphore, #tpu.memory_space<semaphore_mem>>
        %dma_start3A = arith.constant 0 : i32
        %dma_start3A_25 = tpu.memref_slice %arg9[%add3A_24, %dma_start3A] : memref<10240x128xf32, #tpu.memory_space<vmem_shared>> -> memref<128x128xf32, #tpu.memory_space<vmem_shared>>
        %dma_start3A_26 = arith.constant 0 : i32
        %dma_start3A_27 = tpu.memref_slice %arg9[%add3A_24, %dma_start3A_26] : memref<10240x128xf32, #tpu.memory_space<vmem_shared>> -> memref<128x128xf32, #tpu.memory_space<vmem_shared>>
        tpu.enqueue_dma source(%arg13 : memref<128x128xf32, #tpu.memory_space<vmem>>) target(%dma_start3A_27 : memref<128x128xf32, #tpu.memory_space<vmem_shared>>) target_semaphore(%run_scoped3A : memref<!tpu.dma_semaphore, #tpu.memory_space<semaphore_mem>>)
        %dma_wait3A = arith.constant 0 : i32
        %dma_wait3A_28 = tpu.memref_slice %arg9[%add3A_24, %dma_wait3A] : memref<10240x128xf32, #tpu.memory_space<vmem_shared>> -> memref<128x128xf32, #tpu.memory_space<vmem_shared>>
        %dma_wait3A_29 = arith.constant 0 : i32
        %dma_wait3A_30 = tpu.memref_slice %arg9[%add3A_24, %dma_wait3A_29] : memref<10240x128xf32, #tpu.memory_space<vmem_shared>> -> memref<128x128xf32, #tpu.memory_space<vmem_shared>>
        tpu.wait_dma2 semaphore(%run_scoped3A : memref<!tpu.dma_semaphore, #tpu.memory_space<semaphore_mem>>) src(%arg13 : memref<128x128xf32, #tpu.memory_space<vmem>>) dst(%dma_wait3A_30 : memref<128x128xf32, #tpu.memory_space<vmem_shared>>)
        tpu.yield
      }) : () -> ()
    }
    %scan3A_5 = arith.constant 5 : i32
    "tpu.region"() ({
      %run_scoped3A = tpu.sem_alloc : memref<!tpu.dma_semaphore, #tpu.memory_space<semaphore_mem>>
      %dma_start3A = arith.constant 0 : i32
      %dma_start3A_19 = arith.constant 0 : i32
      %dma_start3A_20 = tpu.memref_slice %arg4[%add3A, %dma_start3A, %dma_start3A_19] : memref<32x80x128xi32, #tpu.memory_space<hbm>> -> memref<1x80x128xi32, #tpu.memory_space<hbm>>
      %dma_start3A_21 = tpu.memref_squeeze %dma_start3A_20 : memref<1x80x128xi32, #tpu.memory_space<hbm>> -> memref<80x128xi32, #tpu.memory_space<hbm>>
      %dma_start3A_22 = arith.constant 0 : i32
      %dma_start3A_23 = arith.constant 0 : i32
      %dma_start3A_24 = tpu.memref_slice %arg4[%add3A, %dma_start3A_22, %dma_start3A_23] : memref<32x80x128xi32, #tpu.memory_space<hbm>> -> memref<1x80x128xi32, #tpu.memory_space<hbm>>
      %dma_start3A_25 = tpu.memref_squeeze %dma_start3A_24 : memref<1x80x128xi32, #tpu.memory_space<hbm>> -> memref<80x128xi32, #tpu.memory_space<hbm>>
      tpu.enqueue_dma source(%dma_start3A_25 : memref<80x128xi32, #tpu.memory_space<hbm>>) target(%arg10 : memref<80x128xi32, #tpu.memory_space<vmem>>) target_semaphore(%run_scoped3A : memref<!tpu.dma_semaphore, #tpu.memory_space<semaphore_mem>>)
      %dma_wait3A = arith.constant 0 : i32
      %dma_wait3A_26 = arith.constant 0 : i32
      %dma_wait3A_27 = tpu.memref_slice %arg4[%add3A, %dma_wait3A, %dma_wait3A_26] : memref<32x80x128xi32, #tpu.memory_space<hbm>> -> memref<1x80x128xi32, #tpu.memory_space<hbm>>
      %dma_wait3A_28 = tpu.memref_squeeze %dma_wait3A_27 : memref<1x80x128xi32, #tpu.memory_space<hbm>> -> memref<80x128xi32, #tpu.memory_space<hbm>>
      %dma_wait3A_29 = arith.constant 0 : i32
      %dma_wait3A_30 = arith.constant 0 : i32
      %dma_wait3A_31 = tpu.memref_slice %arg4[%add3A, %dma_wait3A_29, %dma_wait3A_30] : memref<32x80x128xi32, #tpu.memory_space<hbm>> -> memref<1x80x128xi32, #tpu.memory_space<hbm>>
      %dma_wait3A_32 = tpu.memref_squeeze %dma_wait3A_31 : memref<1x80x128xi32, #tpu.memory_space<hbm>> -> memref<80x128xi32, #tpu.memory_space<hbm>>
      tpu.wait_dma2 semaphore(%run_scoped3A : memref<!tpu.dma_semaphore, #tpu.memory_space<semaphore_mem>>) src(%dma_wait3A_32 : memref<80x128xi32, #tpu.memory_space<hbm>>) dst(%arg10 : memref<80x128xi32, #tpu.memory_space<vmem>>)
      tpu.yield
    }) : () -> ()
    "tpu.region"() ({
      %run_scoped3A = tpu.sem_alloc : memref<!tpu.dma_semaphore, #tpu.memory_space<semaphore_mem>>
      %dma_start3A = arith.constant 0 : i32
      %dma_start3A_19 = arith.constant 0 : i32
      %dma_start3A_20 = tpu.memref_slice %arg5[%add3A, %dma_start3A, %dma_start3A_19] : memref<32x80x128xi32, #tpu.memory_space<hbm>> -> memref<1x80x128xi32, #tpu.memory_space<hbm>>
      %dma_start3A_21 = tpu.memref_squeeze %dma_start3A_20 : memref<1x80x128xi32, #tpu.memory_space<hbm>> -> memref<80x128xi32, #tpu.memory_space<hbm>>
      %dma_start3A_22 = arith.constant 0 : i32
      %dma_start3A_23 = arith.constant 0 : i32
      %dma_start3A_24 = tpu.memref_slice %arg5[%add3A, %dma_start3A_22, %dma_start3A_23] : memref<32x80x128xi32, #tpu.memory_space<hbm>> -> memref<1x80x128xi32, #tpu.memory_space<hbm>>
      %dma_start3A_25 = tpu.memref_squeeze %dma_start3A_24 : memref<1x80x128xi32, #tpu.memory_space<hbm>> -> memref<80x128xi32, #tpu.memory_space<hbm>>
      tpu.enqueue_dma source(%dma_start3A_25 : memref<80x128xi32, #tpu.memory_space<hbm>>) target(%arg11 : memref<80x128xi32, #tpu.memory_space<vmem>>) target_semaphore(%run_scoped3A : memref<!tpu.dma_semaphore, #tpu.memory_space<semaphore_mem>>)
      %dma_wait3A = arith.constant 0 : i32
      %dma_wait3A_26 = arith.constant 0 : i32
      %dma_wait3A_27 = tpu.memref_slice %arg5[%add3A, %dma_wait3A, %dma_wait3A_26] : memref<32x80x128xi32, #tpu.memory_space<hbm>> -> memref<1x80x128xi32, #tpu.memory_space<hbm>>
      %dma_wait3A_28 = tpu.memref_squeeze %dma_wait3A_27 : memref<1x80x128xi32, #tpu.memory_space<hbm>> -> memref<80x128xi32, #tpu.memory_space<hbm>>
      %dma_wait3A_29 = arith.constant 0 : i32
      %dma_wait3A_30 = arith.constant 0 : i32
      %dma_wait3A_31 = tpu.memref_slice %arg5[%add3A, %dma_wait3A_29, %dma_wait3A_30] : memref<32x80x128xi32, #tpu.memory_space<hbm>> -> memref<1x80x128xi32, #tpu.memory_space<hbm>>
      %dma_wait3A_32 = tpu.memref_squeeze %dma_wait3A_31 : memref<1x80x128xi32, #tpu.memory_space<hbm>> -> memref<80x128xi32, #tpu.memory_space<hbm>>
      tpu.wait_dma2 semaphore(%run_scoped3A : memref<!tpu.dma_semaphore, #tpu.memory_space<semaphore_mem>>) src(%dma_wait3A_32 : memref<80x128xi32, #tpu.memory_space<hbm>>) dst(%arg11 : memref<80x128xi32, #tpu.memory_space<vmem>>)
      tpu.yield
    }) : () -> ()
    "tpu.region"() ({
      %run_scoped3A = tpu.sem_alloc : memref<!tpu.dma_semaphore, #tpu.memory_space<semaphore_mem>>
      %dma_start3A = arith.constant 0 : i32
      %dma_start3A_19 = arith.constant 0 : i32
      %dma_start3A_20 = tpu.memref_slice %arg6[%add3A, %dma_start3A, %dma_start3A_19] : memref<32x80x128xi32, #tpu.memory_space<hbm>> -> memref<1x80x128xi32, #tpu.memory_space<hbm>>
      %dma_start3A_21 = tpu.memref_squeeze %dma_start3A_20 : memref<1x80x128xi32, #tpu.memory_space<hbm>> -> memref<80x128xi32, #tpu.memory_space<hbm>>
      %dma_start3A_22 = arith.constant 0 : i32
      %dma_start3A_23 = arith.constant 0 : i32
      %dma_start3A_24 = tpu.memref_slice %arg6[%add3A, %dma_start3A_22, %dma_start3A_23] : memref<32x80x128xi32, #tpu.memory_space<hbm>> -> memref<1x80x128xi32, #tpu.memory_space<hbm>>
      %dma_start3A_25 = tpu.memref_squeeze %dma_start3A_24 : memref<1x80x128xi32, #tpu.memory_space<hbm>> -> memref<80x128xi32, #tpu.memory_space<hbm>>
      tpu.enqueue_dma source(%dma_start3A_25 : memref<80x128xi32, #tpu.memory_space<hbm>>) target(%arg12 : memref<80x128xi32, #tpu.memory_space<vmem>>) target_semaphore(%run_scoped3A : memref<!tpu.dma_semaphore, #tpu.memory_space<semaphore_mem>>)
      %dma_wait3A = arith.constant 0 : i32
      %dma_wait3A_26 = arith.constant 0 : i32
      %dma_wait3A_27 = tpu.memref_slice %arg6[%add3A, %dma_wait3A, %dma_wait3A_26] : memref<32x80x128xi32, #tpu.memory_space<hbm>> -> memref<1x80x128xi32, #tpu.memory_space<hbm>>
      %dma_wait3A_28 = tpu.memref_squeeze %dma_wait3A_27 : memref<1x80x128xi32, #tpu.memory_space<hbm>> -> memref<80x128xi32, #tpu.memory_space<hbm>>
      %dma_wait3A_29 = arith.constant 0 : i32
      %dma_wait3A_30 = arith.constant 0 : i32
      %dma_wait3A_31 = tpu.memref_slice %arg6[%add3A, %dma_wait3A_29, %dma_wait3A_30] : memref<32x80x128xi32, #tpu.memory_space<hbm>> -> memref<1x80x128xi32, #tpu.memory_space<hbm>>
      %dma_wait3A_32 = tpu.memref_squeeze %dma_wait3A_31 : memref<1x80x128xi32, #tpu.memory_space<hbm>> -> memref<80x128xi32, #tpu.memory_space<hbm>>
      tpu.wait_dma2 semaphore(%run_scoped3A : memref<!tpu.dma_semaphore, #tpu.memory_space<semaphore_mem>>) src(%dma_wait3A_32 : memref<80x128xi32, #tpu.memory_space<hbm>>) dst(%arg12 : memref<80x128xi32, #tpu.memory_space<vmem>>)
      tpu.yield
    }) : () -> ()
    %barrier3A = arith.constant 0 : index
    tpu.barrier barrier_id(%barrier3A)
    %scan3A_6 = arith.constant 0 : i32
    %scan3A_7 = arith.constant 0 : i32
    %scan3A_8 = arith.constant 80 : i32
    %scan3A_9 = arith.addi %scan3A_7, %scan3A_8 : i32
    %scan3A_10 = arith.constant 1 : i32
    scf.for %scan3A_19 = %scan3A_7 to %scan3A_9 step %scan3A_10  : i32 {
      %dma_start3A = arith.constant 0 : i32
      %dma_start3A_20 = tpu.memref_slice %arg11[%scan3A_19, %dma_start3A] : memref<80x128xi32, #tpu.memory_space<vmem>> -> memref<1x128xi32, #tpu.memory_space<vmem>>
      %dma_start3A_21 = tpu.memref_squeeze %dma_start3A_20 : memref<1x128xi32, #tpu.memory_space<vmem>> -> memref<128xi32, #tpu.memory_space<vmem>>
      %dma_start3A_22 = arith.constant 0 : i32
      %dma_start3A_23 = arith.constant 0 : i32
      %dma_start3A_24 = tpu.memref_slice %arg3[%dma_start3A_22, %dma_start3A_23] : memref<512x128xf32, #tpu.memory_space<hbm>> -> memref<512x128xf32, #tpu.memory_space<hbm>>
      tpu.enqueue_indirect_dma source(%dma_start3A_24 : memref<512x128xf32, #tpu.memory_space<hbm>>) target(%arg13 : memref<128x128xf32, #tpu.memory_space<vmem>>) offsets(%dma_start3A_21 : memref<128xi32, #tpu.memory_space<vmem>>) semaphore(%arg14 : memref<!tpu.dma_semaphore, #tpu.memory_space<semaphore_mem>>)
      %dma_wait3A = arith.constant 0 : i32
      %dma_wait3A_25 = tpu.memref_slice %arg11[%scan3A_19, %dma_wait3A] : memref<80x128xi32, #tpu.memory_space<vmem>> -> memref<1x128xi32, #tpu.memory_space<vmem>>
      %dma_wait3A_26 = tpu.memref_squeeze %dma_wait3A_25 : memref<1x128xi32, #tpu.memory_space<vmem>> -> memref<128xi32, #tpu.memory_space<vmem>>
      %dma_wait3A_27 = arith.constant 0 : i32
      %dma_wait3A_28 = arith.constant 0 : i32
      %dma_wait3A_29 = tpu.memref_slice %arg3[%dma_wait3A_27, %dma_wait3A_28] : memref<512x128xf32, #tpu.memory_space<hbm>> -> memref<512x128xf32, #tpu.memory_space<hbm>>
      tpu.wait_indirect_dma semaphore(%arg14 : memref<!tpu.dma_semaphore, #tpu.memory_space<semaphore_mem>>) src(%dma_wait3A_29 : memref<512x128xf32, #tpu.memory_space<hbm>>) dst(%arg13 : memref<128x128xf32, #tpu.memory_space<vmem>>)
      %dma_start3A_30 = arith.constant 0 : i32
      %dma_start3A_31 = tpu.memref_slice %arg10[%scan3A_19, %dma_start3A_30] : memref<80x128xi32, #tpu.memory_space<vmem>> -> memref<1x128xi32, #tpu.memory_space<vmem>>
      %dma_start3A_32 = tpu.memref_squeeze %dma_start3A_31 : memref<1x128xi32, #tpu.memory_space<vmem>> -> memref<128xi32, #tpu.memory_space<vmem>>
      %dma_start3A_33 = arith.constant 0 : i32
      %dma_start3A_34 = arith.constant 0 : i32
      %dma_start3A_35 = tpu.memref_slice %arg2[%dma_start3A_33, %dma_start3A_34] : memref<10000x128xf32, #tpu.memory_space<hbm>> -> memref<10000x128xf32, #tpu.memory_space<hbm>>
      tpu.enqueue_indirect_dma source(%dma_start3A_35 : memref<10000x128xf32, #tpu.memory_space<hbm>>) target(%arg13 : memref<128x128xf32, #tpu.memory_space<vmem>>) offsets(%dma_start3A_32 : memref<128xi32, #tpu.memory_space<vmem>>) semaphore(%arg14 : memref<!tpu.dma_semaphore, #tpu.memory_space<semaphore_mem>>) {add = true}
      %dma_wait3A_36 = arith.constant 0 : i32
      %dma_wait3A_37 = tpu.memref_slice %arg10[%scan3A_19, %dma_wait3A_36] : memref<80x128xi32, #tpu.memory_space<vmem>> -> memref<1x128xi32, #tpu.memory_space<vmem>>
      %dma_wait3A_38 = tpu.memref_squeeze %dma_wait3A_37 : memref<1x128xi32, #tpu.memory_space<vmem>> -> memref<128xi32, #tpu.memory_space<vmem>>
      %dma_wait3A_39 = arith.constant 0 : i32
      %dma_wait3A_40 = arith.constant 0 : i32
      %dma_wait3A_41 = tpu.memref_slice %arg2[%dma_wait3A_39, %dma_wait3A_40] : memref<10000x128xf32, #tpu.memory_space<hbm>> -> memref<10000x128xf32, #tpu.memory_space<hbm>>
      tpu.wait_indirect_dma semaphore(%arg14 : memref<!tpu.dma_semaphore, #tpu.memory_space<semaphore_mem>>) src(%dma_wait3A_41 : memref<10000x128xf32, #tpu.memory_space<hbm>>) dst(%arg13 : memref<128x128xf32, #tpu.memory_space<vmem>>)
      %scan3A_42 = arith.constant 0 : i32
      %scan3A_43 = arith.constant 0 : i32
      %scan3A_44 = arith.constant 128 : i32
      %scan3A_45 = arith.addi %scan3A_43, %scan3A_44 : i32
      %scan3A_46 = arith.constant 1 : i32
      scf.for %scan3A_48 = %scan3A_43 to %scan3A_45 step %scan3A_46  : i32 {
        %get3A = arith.index_cast %scan3A_48 : i32 to index
        %get3A_49 = arith.constant 0 : index
        %get3A_50 = tpu.vector_load %arg13[%get3A, %get3A_49] {strides = array<i32>} : memref<128x128xf32, #tpu.memory_space<vmem>>, vector<1x16xf32>,
        %get3A_51 = vector.shape_cast %get3A_50 : vector<1x16xf32> to vector<16xf32>
        %max3A = arith.constant 0.000000e+00 : f32
        %max3A_52 = vector.broadcast %max3A : f32 to vector<16xf32>
        %max3A_53 = arith.maximumf %get3A_51, %max3A_52 : vector<16xf32>
        %swap3A = arith.index_cast %scan3A_48 : i32 to index
        %swap3A_54 = arith.constant 0 : index
        %swap3A_55 = tpu.vector_load %arg13[%swap3A, %swap3A_54] {strides = array<i32>} : memref<128x128xf32, #tpu.memory_space<vmem>>, vector<1x16xf32>,
        %swap3A_56 = vector.shape_cast %swap3A_55 : vector<1x16xf32> to vector<16xf32>
        %swap3A_57 = vector.shape_cast %max3A_53 : vector<16xf32> to vector<1x16xf32>
        tpu.vector_store %arg13[%swap3A, %swap3A_54], %swap3A_57 {strides = array<i32>} : memref<128x128xf32, #tpu.memory_space<vmem>>, vector<1x16xf32>,
        %get3A_58 = arith.index_cast %scan3A_48 : i32 to index
        %get3A_59 = arith.constant 16 : index
        %get3A_60 = tpu.vector_load %arg13[%get3A_58, %get3A_59] {strides = array<i32>} : memref<128x128xf32, #tpu.memory_space<vmem>>, vector<1x16xf32>,
        %get3A_61 = vector.shape_cast %get3A_60 : vector<1x16xf32> to vector<16xf32>
        %max3A_62 = arith.constant 0.000000e+00 : f32
        %max3A_63 = vector.broadcast %max3A_62 : f32 to vector<16xf32>
        %max3A_64 = arith.maximumf %get3A_61, %max3A_63 : vector<16xf32>
        %swap3A_65 = arith.index_cast %scan3A_48 : i32 to index
        %swap3A_66 = arith.constant 16 : index
        %swap3A_67 = tpu.vector_load %arg13[%swap3A_65, %swap3A_66] {strides = array<i32>} : memref<128x128xf32, #tpu.memory_space<vmem>>, vector<1x16xf32>,
        %swap3A_68 = vector.shape_cast %swap3A_67 : vector<1x16xf32> to vector<16xf32>
        %swap3A_69 = vector.shape_cast %max3A_64 : vector<16xf32> to vector<1x16xf32>
        tpu.vector_store %arg13[%swap3A_65, %swap3A_66], %swap3A_69 {strides = array<i32>} : memref<128x128xf32, #tpu.memory_space<vmem>>, vector<1x16xf32>,
        %get3A_70 = arith.index_cast %scan3A_48 : i32 to index
        %get3A_71 = arith.constant 32 : index
        %get3A_72 = tpu.vector_load %arg13[%get3A_70, %get3A_71] {strides = array<i32>} : memref<128x128xf32, #tpu.memory_space<vmem>>, vector<1x16xf32>,
        %get3A_73 = vector.shape_cast %get3A_72 : vector<1x16xf32> to vector<16xf32>
        %max3A_74 = arith.constant 0.000000e+00 : f32
        %max3A_75 = vector.broadcast %max3A_74 : f32 to vector<16xf32>
        %max3A_76 = arith.maximumf %get3A_73, %max3A_75 : vector<16xf32>
        %swap3A_77 = arith.index_cast %scan3A_48 : i32 to index
        %swap3A_78 = arith.constant 32 : index
        %swap3A_79 = tpu.vector_load %arg13[%swap3A_77, %swap3A_78] {strides = array<i32>} : memref<128x128xf32, #tpu.memory_space<vmem>>, vector<1x16xf32>,
        %swap3A_80 = vector.shape_cast %swap3A_79 : vector<1x16xf32> to vector<16xf32>
        %swap3A_81 = vector.shape_cast %max3A_76 : vector<16xf32> to vector<1x16xf32>
        tpu.vector_store %arg13[%swap3A_77, %swap3A_78], %swap3A_81 {strides = array<i32>} : memref<128x128xf32, #tpu.memory_space<vmem>>, vector<1x16xf32>,
        %get3A_82 = arith.index_cast %scan3A_48 : i32 to index
        %get3A_83 = arith.constant 48 : index
        %get3A_84 = tpu.vector_load %arg13[%get3A_82, %get3A_83] {strides = array<i32>} : memref<128x128xf32, #tpu.memory_space<vmem>>, vector<1x16xf32>,
        %get3A_85 = vector.shape_cast %get3A_84 : vector<1x16xf32> to vector<16xf32>
        %max3A_86 = arith.constant 0.000000e+00 : f32
        %max3A_87 = vector.broadcast %max3A_86 : f32 to vector<16xf32>
        %max3A_88 = arith.maximumf %get3A_85, %max3A_87 : vector<16xf32>
        %swap3A_89 = arith.index_cast %scan3A_48 : i32 to index
        %swap3A_90 = arith.constant 48 : index
        %swap3A_91 = tpu.vector_load %arg13[%swap3A_89, %swap3A_90] {strides = array<i32>} : memref<128x128xf32, #tpu.memory_space<vmem>>, vector<1x16xf32>,
        %swap3A_92 = vector.shape_cast %swap3A_91 : vector<1x16xf32> to vector<16xf32>
        %swap3A_93 = vector.shape_cast %max3A_88 : vector<16xf32> to vector<1x16xf32>
        tpu.vector_store %arg13[%swap3A_89, %swap3A_90], %swap3A_93 {strides = array<i32>} : memref<128x128xf32, #tpu.memory_space<vmem>>, vector<1x16xf32>,
        %get3A_94 = arith.index_cast %scan3A_48 : i32 to index
        %get3A_95 = arith.constant 64 : index
        %get3A_96 = tpu.vector_load %arg13[%get3A_94, %get3A_95] {strides = array<i32>} : memref<128x128xf32, #tpu.memory_space<vmem>>, vector<1x16xf32>,
        %get3A_97 = vector.shape_cast %get3A_96 : vector<1x16xf32> to vector<16xf32>
        %max3A_98 = arith.constant 0.000000e+00 : f32
        %max3A_99 = vector.broadcast %max3A_98 : f32 to vector<16xf32>
        %max3A_100 = arith.maximumf %get3A_97, %max3A_99 : vector<16xf32>
        %swap3A_101 = arith.index_cast %scan3A_48 : i32 to index
        %swap3A_102 = arith.constant 64 : index
        %swap3A_103 = tpu.vector_load %arg13[%swap3A_101, %swap3A_102] {strides = array<i32>} : memref<128x128xf32, #tpu.memory_space<vmem>>, vector<1x16xf32>,
        %swap3A_104 = vector.shape_cast %swap3A_103 : vector<1x16xf32> to vector<16xf32>
        %swap3A_105 = vector.shape_cast %max3A_100 : vector<16xf32> to vector<1x16xf32>
        tpu.vector_store %arg13[%swap3A_101, %swap3A_102], %swap3A_105 {strides = array<i32>} : memref<128x128xf32, #tpu.memory_space<vmem>>, vector<1x16xf32>,
        %get3A_106 = arith.index_cast %scan3A_48 : i32 to index
        %get3A_107 = arith.constant 80 : index
        %get3A_108 = tpu.vector_load %arg13[%get3A_106, %get3A_107] {strides = array<i32>} : memref<128x128xf32, #tpu.memory_space<vmem>>, vector<1x16xf32>,
        %get3A_109 = vector.shape_cast %get3A_108 : vector<1x16xf32> to vector<16xf32>
        %max3A_110 = arith.constant 0.000000e+00 : f32
        %max3A_111 = vector.broadcast %max3A_110 : f32 to vector<16xf32>
        %max3A_112 = arith.maximumf %get3A_109, %max3A_111 : vector<16xf32>
        %swap3A_113 = arith.index_cast %scan3A_48 : i32 to index
        %swap3A_114 = arith.constant 80 : index
        %swap3A_115 = tpu.vector_load %arg13[%swap3A_113, %swap3A_114] {strides = array<i32>} : memref<128x128xf32, #tpu.memory_space<vmem>>, vector<1x16xf32>,
        %swap3A_116 = vector.shape_cast %swap3A_115 : vector<1x16xf32> to vector<16xf32>
        %swap3A_117 = vector.shape_cast %max3A_112 : vector<16xf32> to vector<1x16xf32>
        tpu.vector_store %arg13[%swap3A_113, %swap3A_114], %swap3A_117 {strides = array<i32>} : memref<128x128xf32, #tpu.memory_space<vmem>>, vector<1x16xf32>,
        %get3A_118 = arith.index_cast %scan3A_48 : i32 to index
        %get3A_119 = arith.constant 96 : index
        %get3A_120 = tpu.vector_load %arg13[%get3A_118, %get3A_119] {strides = array<i32>} : memref<128x128xf32, #tpu.memory_space<vmem>>, vector<1x16xf32>,
        %get3A_121 = vector.shape_cast %get3A_120 : vector<1x16xf32> to vector<16xf32>
        %max3A_122 = arith.constant 0.000000e+00 : f32
        %max3A_123 = vector.broadcast %max3A_122 : f32 to vector<16xf32>
        %max3A_124 = arith.maximumf %get3A_121, %max3A_123 : vector<16xf32>
        %swap3A_125 = arith.index_cast %scan3A_48 : i32 to index
        %swap3A_126 = arith.constant 96 : index
        %swap3A_127 = tpu.vector_load %arg13[%swap3A_125, %swap3A_126] {strides = array<i32>} : memref<128x128xf32, #tpu.memory_space<vmem>>, vector<1x16xf32>,
        %swap3A_128 = vector.shape_cast %swap3A_127 : vector<1x16xf32> to vector<16xf32>
        %swap3A_129 = vector.shape_cast %max3A_124 : vector<16xf32> to vector<1x16xf32>
        tpu.vector_store %arg13[%swap3A_125, %swap3A_126], %swap3A_129 {strides = array<i32>} : memref<128x128xf32, #tpu.memory_space<vmem>>, vector<1x16xf32>,
        %get3A_130 = arith.index_cast %scan3A_48 : i32 to index
        %get3A_131 = arith.constant 112 : index
        %get3A_132 = tpu.vector_load %arg13[%get3A_130, %get3A_131] {strides = array<i32>} : memref<128x128xf32, #tpu.memory_space<vmem>>, vector<1x16xf32>,
        %get3A_133 = vector.shape_cast %get3A_132 : vector<1x16xf32> to vector<16xf32>
        %max3A_134 = arith.constant 0.000000e+00 : f32
        %max3A_135 = vector.broadcast %max3A_134 : f32 to vector<16xf32>
        %max3A_136 = arith.maximumf %get3A_133, %max3A_135 : vector<16xf32>
        %swap3A_137 = arith.index_cast %scan3A_48 : i32 to index
        %swap3A_138 = arith.constant 112 : index
        %swap3A_139 = tpu.vector_load %arg13[%swap3A_137, %swap3A_138] {strides = array<i32>} : memref<128x128xf32, #tpu.memory_space<vmem>>, vector<1x16xf32>,
        %swap3A_140 = vector.shape_cast %swap3A_139 : vector<1x16xf32> to vector<16xf32>
        %swap3A_141 = vector.shape_cast %max3A_136 : vector<16xf32> to vector<1x16xf32>
        tpu.vector_store %arg13[%swap3A_137, %swap3A_138], %swap3A_141 {strides = array<i32>} : memref<128x128xf32, #tpu.memory_space<vmem>>, vector<1x16xf32>,
      }
      %scan3A_47 = arith.constant 128 : i32
      "tpu.region"() ({
        %run_scoped3A = tpu.sem_alloc : memref<!tpu.dma_semaphore, #tpu.memory_space<semaphore_mem>>
        %dma_start3A_48 = arith.constant 0 : i32
        %dma_start3A_49 = tpu.memref_slice %arg12[%scan3A_19, %dma_start3A_48] : memref<80x128xi32, #tpu.memory_space<vmem>> -> memref<1x128xi32, #tpu.memory_space<vmem>>
        %dma_start3A_50 = tpu.memref_squeeze %dma_start3A_49 : memref<1x128xi32, #tpu.memory_space<vmem>> -> memref<128xi32, #tpu.memory_space<vmem>>
        %dma_start3A_51 = arith.constant 0 : i32
        %dma_start3A_52 = arith.constant 0 : i32
        %dma_start3A_53 = tpu.memref_slice %arg9[%dma_start3A_51, %dma_start3A_52] : memref<10240x128xf32, #tpu.memory_space<vmem_shared>> -> memref<10240x128xf32, #tpu.memory_space<vmem_shared>>
        tpu.enqueue_indirect_dma source(%arg13 : memref<128x128xf32, #tpu.memory_space<vmem>>) target(%dma_start3A_53 : memref<10240x128xf32, #tpu.memory_space<vmem_shared>>) offsets(%dma_start3A_50 : memref<128xi32, #tpu.memory_space<vmem>>) semaphore(%run_scoped3A : memref<!tpu.dma_semaphore, #tpu.memory_space<semaphore_mem>>) {add = true}
        %dma_wait3A_54 = arith.constant 0 : i32
        %dma_wait3A_55 = tpu.memref_slice %arg12[%scan3A_19, %dma_wait3A_54] : memref<80x128xi32, #tpu.memory_space<vmem>> -> memref<1x128xi32, #tpu.memory_space<vmem>>
        %dma_wait3A_56 = tpu.memref_squeeze %dma_wait3A_55 : memref<1x128xi32, #tpu.memory_space<vmem>> -> memref<128xi32, #tpu.memory_space<vmem>>
        %dma_wait3A_57 = arith.constant 0 : i32
        %dma_wait3A_58 = arith.constant 0 : i32
        %dma_wait3A_59 = tpu.memref_slice %arg9[%dma_wait3A_57, %dma_wait3A_58] : memref<10240x128xf32, #tpu.memory_space<vmem_shared>> -> memref<10240x128xf32, #tpu.memory_space<vmem_shared>>
        tpu.wait_indirect_dma semaphore(%run_scoped3A : memref<!tpu.dma_semaphore, #tpu.memory_space<semaphore_mem>>) src(%arg13 : memref<128x128xf32, #tpu.memory_space<vmem>>) dst(%dma_wait3A_59 : memref<10240x128xf32, #tpu.memory_space<vmem_shared>>)
        tpu.yield
      }) : () -> ()
    }
    %scan3A_11 = arith.constant 80 : i32
    %barrier3A_12 = arith.constant 0 : index
    tpu.barrier barrier_id(%barrier3A_12)
    %scan3A_13 = arith.constant 0 : i32
    %scan3A_14 = arith.constant 0 : i32
    %scan3A_15 = arith.constant 5 : i32
    %scan3A_16 = arith.addi %scan3A_14, %scan3A_15 : i32
    %scan3A_17 = arith.constant 1 : i32
    scf.for %scan3A_19 = %scan3A_14 to %scan3A_16 step %scan3A_17  : i32 {
      %mul3A_20 = arith.constant 640 : i32
      %mul3A_21 = arith.muli %arg1, %mul3A_20 : i32
      %mul3A_22 = arith.constant 128 : i32
      %mul3A_23 = arith.muli %scan3A_19, %mul3A_22 : i32
      %add3A_24 = arith.addi %mul3A_21, %mul3A_23 : i32
      "tpu.region"() ({
        %run_scoped3A = tpu.sem_alloc : memref<!tpu.dma_semaphore, #tpu.memory_space<semaphore_mem>>
        %dma_start3A = arith.constant 0 : i32
        %dma_start3A_28 = tpu.memref_slice %arg9[%add3A_24, %dma_start3A] : memref<10240x128xf32, #tpu.memory_space<vmem_shared>> -> memref<128x128xf32, #tpu.memory_space<vmem_shared>>
        %dma_start3A_29 = arith.constant 0 : i32
        %dma_start3A_30 = tpu.memref_slice %arg9[%add3A_24, %dma_start3A_29] : memref<10240x128xf32, #tpu.memory_space<vmem_shared>> -> memref<128x128xf32, #tpu.memory_space<vmem_shared>>
        tpu.enqueue_dma source(%dma_start3A_30 : memref<128x128xf32, #tpu.memory_space<vmem_shared>>) target(%arg13 : memref<128x128xf32, #tpu.memory_space<vmem>>) target_semaphore(%run_scoped3A : memref<!tpu.dma_semaphore, #tpu.memory_space<semaphore_mem>>)
        %dma_wait3A = arith.constant 0 : i32
        %dma_wait3A_31 = tpu.memref_slice %arg9[%add3A_24, %dma_wait3A] : memref<10240x128xf32, #tpu.memory_space<vmem_shared>> -> memref<128x128xf32, #tpu.memory_space<vmem_shared>>
        %dma_wait3A_32 = arith.constant 0 : i32
        %dma_wait3A_33 = tpu.memref_slice %arg9[%add3A_24, %dma_wait3A_32] : memref<10240x128xf32, #tpu.memory_space<vmem_shared>> -> memref<128x128xf32, #tpu.memory_space<vmem_shared>>
        tpu.wait_dma2 semaphore(%run_scoped3A : memref<!tpu.dma_semaphore, #tpu.memory_space<semaphore_mem>>) src(%dma_wait3A_33 : memref<128x128xf32, #tpu.memory_space<vmem_shared>>) dst(%arg13 : memref<128x128xf32, #tpu.memory_space<vmem>>)
        tpu.yield
      }) : () -> ()
      %mul3A_25 = arith.constant 10240 : i32
      %mul3A_26 = arith.muli %arg0, %mul3A_25 : i32
      %add3A_27 = arith.addi %mul3A_26, %add3A_24 : i32
      "tpu.region"() ({
        %run_scoped3A = tpu.sem_alloc : memref<!tpu.dma_semaphore, #tpu.memory_space<semaphore_mem>>
        %dma_start3A = arith.constant 0 : i32
        %dma_start3A_28 = tpu.memref_slice %arg8[%add3A_27, %dma_start3A] : memref<20480x128xf32, #tpu.memory_space<hbm>> -> memref<128x128xf32, #tpu.memory_space<hbm>>
        %dma_start3A_29 = arith.constant 0 : i32
        %dma_start3A_30 = tpu.memref_slice %arg8[%add3A_27, %dma_start3A_29] : memref<20480x128xf32, #tpu.memory_space<hbm>> -> memref<128x128xf32, #tpu.memory_space<hbm>>
        tpu.enqueue_dma source(%arg13 : memref<128x128xf32, #tpu.memory_space<vmem>>) target(%dma_start3A_30 : memref<128x128xf32, #tpu.memory_space<hbm>>) target_semaphore(%run_scoped3A : memref<!tpu.dma_semaphore, #tpu.memory_space<semaphore_mem>>)
        %dma_wait3A = arith.constant 0 : i32
        %dma_wait3A_31 = tpu.memref_slice %arg8[%add3A_27, %dma_wait3A] : memref<20480x128xf32, #tpu.memory_space<hbm>> -> memref<128x128xf32, #tpu.memory_space<hbm>>
        %dma_wait3A_32 = arith.constant 0 : i32
        %dma_wait3A_33 = tpu.memref_slice %arg8[%add3A_27, %dma_wait3A_32] : memref<20480x128xf32, #tpu.memory_space<hbm>> -> memref<128x128xf32, #tpu.memory_space<hbm>>
        tpu.wait_dma2 semaphore(%run_scoped3A : memref<!tpu.dma_semaphore, #tpu.memory_space<semaphore_mem>>) src(%arg13 : memref<128x128xf32, #tpu.memory_space<vmem>>) dst(%dma_wait3A_33 : memref<128x128xf32, #tpu.memory_space<hbm>>)
        tpu.yield
      }) : () -> ()
    }
    %scan3A_18 = arith.constant 5 : i32
    return
  }
}

module attributes {stable_mosaic.version = 14 : i64} {
  func.func @_bn_body(%arg0: memref<10000x128xf32, #tpu.memory_space<vmem>>, %arg1: memref<1x128xf32, #tpu.memory_space<vmem>>, %arg2: memref<1x128xf32, #tpu.memory_space<vmem>>, %arg3: memref<10000x128xf32, #tpu.memory_space<vmem>>) attributes {dimension_semantics = [], scalar_prefetch = 0 : i64, scratch_operands = 0 : i64, tpu.core_type = #tpu.core_type<tc>} {
    %get3A = arith.constant 0 : index
    %get3A_0 = arith.constant 0 : index
    %get3A_1 = vector.load %arg0[%get3A, %get3A_0] : memref<10000x128xf32, #tpu.memory_space<vmem>>, vector<10000x128xf32>
    %reduce_sum3A = arith.constant dense<0.000000e+00> : vector<128xf32>
    %reduce_sum3A_2 = vector.multi_reduction <add>, %get3A_1, %reduce_sum3A [0] : vector<10000x128xf32> to vector<128xf32>
    %broadcast_in_dim3A = vector.shape_cast %reduce_sum3A_2 : vector<128xf32> to vector<1x128xf32>
    %div3A = arith.constant 1.000000e+04 : f32
    %div3A_3 = vector.broadcast %div3A : f32 to vector<1x128xf32>
    %div3A_4 = arith.divf %broadcast_in_dim3A, %div3A_3 : vector<1x128xf32>
    %sub3A = vector.broadcast %div3A_4 : vector<1x128xf32> to vector<10000x128xf32>
    %sub3A_5 = arith.subf %get3A_1, %sub3A : vector<10000x128xf32>
    %integer_pow3A = arith.mulf %sub3A_5, %sub3A_5 : vector<10000x128xf32>
    %reduce_sum3A_6 = arith.constant dense<0.000000e+00> : vector<128xf32>
    %reduce_sum3A_7 = vector.multi_reduction <add>, %integer_pow3A, %reduce_sum3A_6 [0] : vector<10000x128xf32> to vector<128xf32>
    %broadcast_in_dim3A_8 = vector.shape_cast %reduce_sum3A_7 : vector<128xf32> to vector<1x128xf32>
    %div3A_9 = arith.constant 1.000000e+04 : f32
    %div3A_10 = vector.broadcast %div3A_9 : f32 to vector<1x128xf32>
    %div3A_11 = arith.divf %broadcast_in_dim3A_8, %div3A_10 : vector<1x128xf32>
    %sub3A_12 = vector.broadcast %div3A_4 : vector<1x128xf32> to vector<10000x128xf32>
    %sub3A_13 = arith.subf %get3A_1, %sub3A_12 : vector<10000x128xf32>
    %add3A = arith.constant 9.99999974E-6 : f32
    %add3A_14 = vector.broadcast %add3A : f32 to vector<1x128xf32>
    %add3A_15 = arith.addf %div3A_11, %add3A_14 : vector<1x128xf32>
    %rsqrt3A = math.rsqrt %add3A_15 : vector<1x128xf32>
    %mul3A = vector.broadcast %rsqrt3A : vector<1x128xf32> to vector<10000x128xf32>
    %mul3A_16 = arith.mulf %sub3A_13, %mul3A : vector<10000x128xf32>
    %get3A_17 = arith.constant 0 : index
    %get3A_18 = arith.constant 0 : index
    %get3A_19 = vector.load %arg1[%get3A_17, %get3A_18] : memref<1x128xf32, #tpu.memory_space<vmem>>, vector<1x128xf32>
    %mul3A_20 = vector.broadcast %get3A_19 : vector<1x128xf32> to vector<10000x128xf32>
    %mul3A_21 = arith.mulf %mul3A_16, %mul3A_20 : vector<10000x128xf32>
    %get3A_22 = arith.constant 0 : index
    %get3A_23 = arith.constant 0 : index
    %get3A_24 = vector.load %arg2[%get3A_22, %get3A_23] : memref<1x128xf32, #tpu.memory_space<vmem>>, vector<1x128xf32>
    %add3A_25 = vector.broadcast %get3A_24 : vector<1x128xf32> to vector<10000x128xf32>
    %add3A_26 = arith.addf %mul3A_21, %add3A_25 : vector<10000x128xf32>
    %swap3A = arith.constant 0 : index
    %swap3A_27 = arith.constant 0 : index
    %swap3A_28 = vector.load %arg3[%swap3A, %swap3A_27] : memref<10000x128xf32, #tpu.memory_space<vmem>>, vector<10000x128xf32>
    tpu.vector_store %arg3[%swap3A, %swap3A_27], %add3A_26 {strides = array<i32>} : memref<10000x128xf32, #tpu.memory_space<vmem>>, vector<10000x128xf32>,
    return
  }
}

module attributes {stable_mosaic.version = 14 : i64} {
  func.func @_mlp_body(%arg0: memref<10000x128xf32, #tpu.memory_space<vmem>>, %arg1: memref<2x10240x128xf32, #tpu.memory_space<vmem>>, %arg2: memref<128x128xf32, #tpu.memory_space<vmem>>, %arg3: memref<1x128xf32, #tpu.memory_space<vmem>>, %arg4: memref<1x128xf32, #tpu.memory_space<vmem>>, %arg5: memref<1x128xf32, #tpu.memory_space<vmem>>, %arg6: memref<128x128xf32, #tpu.memory_space<vmem>>, %arg7: memref<1x128xf32, #tpu.memory_space<vmem>>, %arg8: memref<1x128xf32, #tpu.memory_space<vmem>>, %arg9: memref<1x128xf32, #tpu.memory_space<vmem>>, %arg10: memref<10000x128xf32, #tpu.memory_space<vmem>>) attributes {dimension_semantics = [], scalar_prefetch = 0 : i64, scratch_operands = 0 : i64, tpu.core_type = #tpu.core_type<tc>} {
    %get3A = arith.constant 0 : index
    %get3A_0 = arith.constant 0 : index
    %get3A_1 = vector.load %arg0[%get3A, %get3A_0] : memref<10000x128xf32, #tpu.memory_space<vmem>>, vector<10000x128xf32>
    %get3A_2 = arith.constant 0 : index
    %get3A_3 = arith.constant 0 : index
    %get3A_4 = arith.constant 0 : index
    %get3A_5 = vector.load %arg1[%get3A_2, %get3A_3, %get3A_4] : memref<2x10240x128xf32, #tpu.memory_space<vmem>>, vector<1x10000x128xf32>
    %get3A_6 = vector.shape_cast %get3A_5 : vector<1x10000x128xf32> to vector<10000x128xf32>
    %add3A = arith.addf %get3A_1, %get3A_6 : vector<10000x128xf32>
    %get3A_7 = arith.constant 1 : index
    %get3A_8 = arith.constant 0 : index
    %get3A_9 = arith.constant 0 : index
    %get3A_10 = vector.load %arg1[%get3A_7, %get3A_8, %get3A_9] : memref<2x10240x128xf32, #tpu.memory_space<vmem>>, vector<1x10000x128xf32>
    %get3A_11 = vector.shape_cast %get3A_10 : vector<1x10000x128xf32> to vector<10000x128xf32>
    %add3A_12 = arith.addf %add3A, %get3A_11 : vector<10000x128xf32>
    %get3A_13 = arith.constant 0 : index
    %get3A_14 = arith.constant 0 : index
    %get3A_15 = vector.load %arg2[%get3A_13, %get3A_14] : memref<128x128xf32, #tpu.memory_space<vmem>>, vector<128x128xf32>
    %dot_general3A = arith.constant dense<0.000000e+00> : vector<10000x128xf32>
    %dot_general3A_16 = tpu.matmul %add3A_12, %get3A_15, %dot_general3A {dimension_numbers = #tpu.dot_dimension_numbers<[1], [0], [0], [1], [0, 0, 1, 1], [], []>, transpose_lhs_hint = false} : vector<10000x128xf32>, vector<128x128xf32>, vector<10000x128xf32> -> vector<10000x128xf32>
    %get3A_17 = arith.constant 0 : index
    %get3A_18 = arith.constant 0 : index
    %get3A_19 = vector.load %arg3[%get3A_17, %get3A_18] : memref<1x128xf32, #tpu.memory_space<vmem>>, vector<1x128xf32>
    %add3A_20 = vector.broadcast %get3A_19 : vector<1x128xf32> to vector<10000x128xf32>
    %add3A_21 = arith.addf %dot_general3A_16, %add3A_20 : vector<10000x128xf32>
    %reduce_sum3A = arith.constant dense<0.000000e+00> : vector<128xf32>
    %reduce_sum3A_22 = vector.multi_reduction <add>, %add3A_21, %reduce_sum3A [0] : vector<10000x128xf32> to vector<128xf32>
    %broadcast_in_dim3A = vector.shape_cast %reduce_sum3A_22 : vector<128xf32> to vector<1x128xf32>
    %div3A = arith.constant 1.000000e+04 : f32
    %div3A_23 = vector.broadcast %div3A : f32 to vector<1x128xf32>
    %div3A_24 = arith.divf %broadcast_in_dim3A, %div3A_23 : vector<1x128xf32>
    %sub3A = vector.broadcast %div3A_24 : vector<1x128xf32> to vector<10000x128xf32>
    %sub3A_25 = arith.subf %add3A_21, %sub3A : vector<10000x128xf32>
    %integer_pow3A = arith.mulf %sub3A_25, %sub3A_25 : vector<10000x128xf32>
    %reduce_sum3A_26 = arith.constant dense<0.000000e+00> : vector<128xf32>
    %reduce_sum3A_27 = vector.multi_reduction <add>, %integer_pow3A, %reduce_sum3A_26 [0] : vector<10000x128xf32> to vector<128xf32>
    %broadcast_in_dim3A_28 = vector.shape_cast %reduce_sum3A_27 : vector<128xf32> to vector<1x128xf32>
    %div3A_29 = arith.constant 1.000000e+04 : f32
    %div3A_30 = vector.broadcast %div3A_29 : f32 to vector<1x128xf32>
    %div3A_31 = arith.divf %broadcast_in_dim3A_28, %div3A_30 : vector<1x128xf32>
    %sub3A_32 = vector.broadcast %div3A_24 : vector<1x128xf32> to vector<10000x128xf32>
    %sub3A_33 = arith.subf %add3A_21, %sub3A_32 : vector<10000x128xf32>
    %add3A_34 = arith.constant 9.99999974E-6 : f32
    %add3A_35 = vector.broadcast %add3A_34 : f32 to vector<1x128xf32>
    %add3A_36 = arith.addf %div3A_31, %add3A_35 : vector<1x128xf32>
    %rsqrt3A = math.rsqrt %add3A_36 : vector<1x128xf32>
    %mul3A = vector.broadcast %rsqrt3A : vector<1x128xf32> to vector<10000x128xf32>
    %mul3A_37 = arith.mulf %sub3A_33, %mul3A : vector<10000x128xf32>
    %get3A_38 = arith.constant 0 : index
    %get3A_39 = arith.constant 0 : index
    %get3A_40 = vector.load %arg4[%get3A_38, %get3A_39] : memref<1x128xf32, #tpu.memory_space<vmem>>, vector<1x128xf32>
    %mul3A_41 = vector.broadcast %get3A_40 : vector<1x128xf32> to vector<10000x128xf32>
    %mul3A_42 = arith.mulf %mul3A_37, %mul3A_41 : vector<10000x128xf32>
    %get3A_43 = arith.constant 0 : index
    %get3A_44 = arith.constant 0 : index
    %get3A_45 = vector.load %arg5[%get3A_43, %get3A_44] : memref<1x128xf32, #tpu.memory_space<vmem>>, vector<1x128xf32>
    %add3A_46 = vector.broadcast %get3A_45 : vector<1x128xf32> to vector<10000x128xf32>
    %add3A_47 = arith.addf %mul3A_42, %add3A_46 : vector<10000x128xf32>
    %max3A = arith.constant 0.000000e+00 : f32
    %max3A_48 = vector.broadcast %max3A : f32 to vector<10000x128xf32>
    %max3A_49 = arith.maximumf %add3A_47, %max3A_48 : vector<10000x128xf32>
    %get3A_50 = arith.constant 0 : index
    %get3A_51 = arith.constant 0 : index
    %get3A_52 = vector.load %arg6[%get3A_50, %get3A_51] : memref<128x128xf32, #tpu.memory_space<vmem>>, vector<128x128xf32>
    %dot_general3A_53 = arith.constant dense<0.000000e+00> : vector<10000x128xf32>
    %dot_general3A_54 = tpu.matmul %max3A_49, %get3A_52, %dot_general3A_53 {dimension_numbers = #tpu.dot_dimension_numbers<[1], [0], [0], [1], [0, 0, 1, 1], [], []>, transpose_lhs_hint = false} : vector<10000x128xf32>, vector<128x128xf32>, vector<10000x128xf32> -> vector<10000x128xf32>
    %get3A_55 = arith.constant 0 : index
    %get3A_56 = arith.constant 0 : index
    %get3A_57 = vector.load %arg7[%get3A_55, %get3A_56] : memref<1x128xf32, #tpu.memory_space<vmem>>, vector<1x128xf32>
    %add3A_58 = vector.broadcast %get3A_57 : vector<1x128xf32> to vector<10000x128xf32>
    %add3A_59 = arith.addf %dot_general3A_54, %add3A_58 : vector<10000x128xf32>
    %max3A_60 = arith.constant 0.000000e+00 : f32
    %max3A_61 = vector.broadcast %max3A_60 : f32 to vector<10000x128xf32>
    %max3A_62 = arith.maximumf %add3A_59, %max3A_61 : vector<10000x128xf32>
    %reduce_sum3A_63 = arith.constant dense<0.000000e+00> : vector<128xf32>
    %reduce_sum3A_64 = vector.multi_reduction <add>, %max3A_62, %reduce_sum3A_63 [0] : vector<10000x128xf32> to vector<128xf32>
    %broadcast_in_dim3A_65 = vector.shape_cast %reduce_sum3A_64 : vector<128xf32> to vector<1x128xf32>
    %div3A_66 = arith.constant 1.000000e+04 : f32
    %div3A_67 = vector.broadcast %div3A_66 : f32 to vector<1x128xf32>
    %div3A_68 = arith.divf %broadcast_in_dim3A_65, %div3A_67 : vector<1x128xf32>
    %sub3A_69 = vector.broadcast %div3A_68 : vector<1x128xf32> to vector<10000x128xf32>
    %sub3A_70 = arith.subf %max3A_62, %sub3A_69 : vector<10000x128xf32>
    %integer_pow3A_71 = arith.mulf %sub3A_70, %sub3A_70 : vector<10000x128xf32>
    %reduce_sum3A_72 = arith.constant dense<0.000000e+00> : vector<128xf32>
    %reduce_sum3A_73 = vector.multi_reduction <add>, %integer_pow3A_71, %reduce_sum3A_72 [0] : vector<10000x128xf32> to vector<128xf32>
    %broadcast_in_dim3A_74 = vector.shape_cast %reduce_sum3A_73 : vector<128xf32> to vector<1x128xf32>
    %div3A_75 = arith.constant 1.000000e+04 : f32
    %div3A_76 = vector.broadcast %div3A_75 : f32 to vector<1x128xf32>
    %div3A_77 = arith.divf %broadcast_in_dim3A_74, %div3A_76 : vector<1x128xf32>
    %sub3A_78 = vector.broadcast %div3A_68 : vector<1x128xf32> to vector<10000x128xf32>
    %sub3A_79 = arith.subf %max3A_62, %sub3A_78 : vector<10000x128xf32>
    %add3A_80 = arith.constant 9.99999974E-6 : f32
    %add3A_81 = vector.broadcast %add3A_80 : f32 to vector<1x128xf32>
    %add3A_82 = arith.addf %div3A_77, %add3A_81 : vector<1x128xf32>
    %rsqrt3A_83 = math.rsqrt %add3A_82 : vector<1x128xf32>
    %mul3A_84 = vector.broadcast %rsqrt3A_83 : vector<1x128xf32> to vector<10000x128xf32>
    %mul3A_85 = arith.mulf %sub3A_79, %mul3A_84 : vector<10000x128xf32>
    %get3A_86 = arith.constant 0 : index
    %get3A_87 = arith.constant 0 : index
    %get3A_88 = vector.load %arg8[%get3A_86, %get3A_87] : memref<1x128xf32, #tpu.memory_space<vmem>>, vector<1x128xf32>
    %mul3A_89 = vector.broadcast %get3A_88 : vector<1x128xf32> to vector<10000x128xf32>
    %mul3A_90 = arith.mulf %mul3A_85, %mul3A_89 : vector<10000x128xf32>
    %get3A_91 = arith.constant 0 : index
    %get3A_92 = arith.constant 0 : index
    %get3A_93 = vector.load %arg9[%get3A_91, %get3A_92] : memref<1x128xf32, #tpu.memory_space<vmem>>, vector<1x128xf32>
    %add3A_94 = vector.broadcast %get3A_93 : vector<1x128xf32> to vector<10000x128xf32>
    %add3A_95 = arith.addf %mul3A_90, %add3A_94 : vector<10000x128xf32>
    %swap3A = arith.constant 0 : index
    %swap3A_96 = arith.constant 0 : index
    %swap3A_97 = vector.load %arg10[%swap3A, %swap3A_96] : memref<10000x128xf32, #tpu.memory_space<vmem>>, vector<10000x128xf32>
    tpu.vector_store %arg10[%swap3A, %swap3A_96], %add3A_95 {strides = array<i32>} : memref<10000x128xf32, #tpu.memory_space<vmem>>, vector<10000x128xf32>,
    return
  }
}

module attributes {stable_mosaic.version = 14 : i64} {
  func.func @_mlp_body(%arg0: memref<10000x128xf32, #tpu.memory_space<vmem>>, %arg1: memref<2x10240x128xf32, #tpu.memory_space<vmem>>, %arg2: memref<128x128xf32, #tpu.memory_space<vmem>>, %arg3: memref<1x128xf32, #tpu.memory_space<vmem>>, %arg4: memref<1x128xf32, #tpu.memory_space<vmem>>, %arg5: memref<1x128xf32, #tpu.memory_space<vmem>>, %arg6: memref<128x128xf32, #tpu.memory_space<vmem>>, %arg7: memref<1x128xf32, #tpu.memory_space<vmem>>, %arg8: memref<1x128xf32, #tpu.memory_space<vmem>>, %arg9: memref<1x128xf32, #tpu.memory_space<vmem>>, %arg10: memref<10000x128xf32, #tpu.memory_space<vmem>>) attributes {dimension_semantics = [], scalar_prefetch = 0 : i64, scratch_operands = 0 : i64, tpu.core_type = #tpu.core_type<tc>} {
    %get3A = arith.constant 0 : index
    %get3A_0 = arith.constant 0 : index
    %get3A_1 = vector.load %arg0[%get3A, %get3A_0] : memref<10000x128xf32, #tpu.memory_space<vmem>>, vector<10000x128xf32>
    %get3A_2 = arith.constant 0 : index
    %get3A_3 = arith.constant 0 : index
    %get3A_4 = arith.constant 0 : index
    %get3A_5 = vector.load %arg1[%get3A_2, %get3A_3, %get3A_4] : memref<2x10240x128xf32, #tpu.memory_space<vmem>>, vector<1x10000x128xf32>
    %get3A_6 = vector.shape_cast %get3A_5 : vector<1x10000x128xf32> to vector<10000x128xf32>
    %add3A = arith.addf %get3A_1, %get3A_6 : vector<10000x128xf32>
    %get3A_7 = arith.constant 1 : index
    %get3A_8 = arith.constant 0 : index
    %get3A_9 = arith.constant 0 : index
    %get3A_10 = vector.load %arg1[%get3A_7, %get3A_8, %get3A_9] : memref<2x10240x128xf32, #tpu.memory_space<vmem>>, vector<1x10000x128xf32>
    %get3A_11 = vector.shape_cast %get3A_10 : vector<1x10000x128xf32> to vector<10000x128xf32>
    %add3A_12 = arith.addf %add3A, %get3A_11 : vector<10000x128xf32>
    %get3A_13 = arith.constant 0 : index
    %get3A_14 = arith.constant 0 : index
    %get3A_15 = vector.load %arg2[%get3A_13, %get3A_14] : memref<128x128xf32, #tpu.memory_space<vmem>>, vector<128x128xf32>
    %dot_general3A = arith.constant dense<0.000000e+00> : vector<10000x128xf32>
    %dot_general3A_16 = tpu.matmul %add3A_12, %get3A_15, %dot_general3A {dimension_numbers = #tpu.dot_dimension_numbers<[1], [0], [0], [1], [0, 0, 1, 1], [], []>, transpose_lhs_hint = false} : vector<10000x128xf32>, vector<128x128xf32>, vector<10000x128xf32> -> vector<10000x128xf32>
    %get3A_17 = arith.constant 0 : index
    %get3A_18 = arith.constant 0 : index
    %get3A_19 = vector.load %arg3[%get3A_17, %get3A_18] : memref<1x128xf32, #tpu.memory_space<vmem>>, vector<1x128xf32>
    %add3A_20 = vector.broadcast %get3A_19 : vector<1x128xf32> to vector<10000x128xf32>
    %add3A_21 = arith.addf %dot_general3A_16, %add3A_20 : vector<10000x128xf32>
    %reduce_sum3A = arith.constant dense<0.000000e+00> : vector<128xf32>
    %reduce_sum3A_22 = vector.multi_reduction <add>, %add3A_21, %reduce_sum3A [0] : vector<10000x128xf32> to vector<128xf32>
    %broadcast_in_dim3A = vector.shape_cast %reduce_sum3A_22 : vector<128xf32> to vector<1x128xf32>
    %div3A = arith.constant 1.000000e+04 : f32
    %div3A_23 = vector.broadcast %div3A : f32 to vector<1x128xf32>
    %div3A_24 = arith.divf %broadcast_in_dim3A, %div3A_23 : vector<1x128xf32>
    %sub3A = vector.broadcast %div3A_24 : vector<1x128xf32> to vector<10000x128xf32>
    %sub3A_25 = arith.subf %add3A_21, %sub3A : vector<10000x128xf32>
    %integer_pow3A = arith.mulf %sub3A_25, %sub3A_25 : vector<10000x128xf32>
    %reduce_sum3A_26 = arith.constant dense<0.000000e+00> : vector<128xf32>
    %reduce_sum3A_27 = vector.multi_reduction <add>, %integer_pow3A, %reduce_sum3A_26 [0] : vector<10000x128xf32> to vector<128xf32>
    %broadcast_in_dim3A_28 = vector.shape_cast %reduce_sum3A_27 : vector<128xf32> to vector<1x128xf32>
    %div3A_29 = arith.constant 1.000000e+04 : f32
    %div3A_30 = vector.broadcast %div3A_29 : f32 to vector<1x128xf32>
    %div3A_31 = arith.divf %broadcast_in_dim3A_28, %div3A_30 : vector<1x128xf32>
    %sub3A_32 = vector.broadcast %div3A_24 : vector<1x128xf32> to vector<10000x128xf32>
    %sub3A_33 = arith.subf %add3A_21, %sub3A_32 : vector<10000x128xf32>
    %add3A_34 = arith.constant 9.99999974E-6 : f32
    %add3A_35 = vector.broadcast %add3A_34 : f32 to vector<1x128xf32>
    %add3A_36 = arith.addf %div3A_31, %add3A_35 : vector<1x128xf32>
    %rsqrt3A = math.rsqrt %add3A_36 : vector<1x128xf32>
    %mul3A = vector.broadcast %rsqrt3A : vector<1x128xf32> to vector<10000x128xf32>
    %mul3A_37 = arith.mulf %sub3A_33, %mul3A : vector<10000x128xf32>
    %get3A_38 = arith.constant 0 : index
    %get3A_39 = arith.constant 0 : index
    %get3A_40 = vector.load %arg4[%get3A_38, %get3A_39] : memref<1x128xf32, #tpu.memory_space<vmem>>, vector<1x128xf32>
    %mul3A_41 = vector.broadcast %get3A_40 : vector<1x128xf32> to vector<10000x128xf32>
    %mul3A_42 = arith.mulf %mul3A_37, %mul3A_41 : vector<10000x128xf32>
    %get3A_43 = arith.constant 0 : index
    %get3A_44 = arith.constant 0 : index
    %get3A_45 = vector.load %arg5[%get3A_43, %get3A_44] : memref<1x128xf32, #tpu.memory_space<vmem>>, vector<1x128xf32>
    %add3A_46 = vector.broadcast %get3A_45 : vector<1x128xf32> to vector<10000x128xf32>
    %add3A_47 = arith.addf %mul3A_42, %add3A_46 : vector<10000x128xf32>
    %max3A = arith.constant 0.000000e+00 : f32
    %max3A_48 = vector.broadcast %max3A : f32 to vector<10000x128xf32>
    %max3A_49 = arith.maximumf %add3A_47, %max3A_48 : vector<10000x128xf32>
    %get3A_50 = arith.constant 0 : index
    %get3A_51 = arith.constant 0 : index
    %get3A_52 = vector.load %arg6[%get3A_50, %get3A_51] : memref<128x128xf32, #tpu.memory_space<vmem>>, vector<128x128xf32>
    %dot_general3A_53 = arith.constant dense<0.000000e+00> : vector<10000x128xf32>
    %dot_general3A_54 = tpu.matmul %max3A_49, %get3A_52, %dot_general3A_53 {dimension_numbers = #tpu.dot_dimension_numbers<[1], [0], [0], [1], [0, 0, 1, 1], [], []>, transpose_lhs_hint = false} : vector<10000x128xf32>, vector<128x128xf32>, vector<10000x128xf32> -> vector<10000x128xf32>
    %get3A_55 = arith.constant 0 : index
    %get3A_56 = arith.constant 0 : index
    %get3A_57 = vector.load %arg7[%get3A_55, %get3A_56] : memref<1x128xf32, #tpu.memory_space<vmem>>, vector<1x128xf32>
    %add3A_58 = vector.broadcast %get3A_57 : vector<1x128xf32> to vector<10000x128xf32>
    %add3A_59 = arith.addf %dot_general3A_54, %add3A_58 : vector<10000x128xf32>
    %swap3A = arith.constant 0 : index
    %swap3A_60 = arith.constant 0 : index
    %swap3A_61 = vector.load %arg10[%swap3A, %swap3A_60] : memref<10000x128xf32, #tpu.memory_space<vmem>>, vector<10000x128xf32>
    tpu.vector_store %arg10[%swap3A, %swap3A_60], %add3A_59 {strides = array<i32>} : memref<10000x128xf32, #tpu.memory_space<vmem>>, vector<10000x128xf32>,
    return
  }
}

</mosaic_0001>

<sc_bundles>
// kernel: kernel.12.cloned.1.call-start
scs
__scs_entry_jumppad:
0x0: {  	(pc) =	sbr.rel $0x88, $3  }
0x1: {  	(tag) =	ssettag $0x0;
	lr =	simm.s32 $0x1  }
0x2: {  	[smem:$0x3F95] =	sst lr;
	_ =	strace $0xD0000000  }
0x3: {  	_ = 	snop  }
0x4: {  	_ = 	snop  }
0x5: {  	_ = 	snop  }
0x6: {  	_ = 	snop  }
0x7: {  	_ = 	snop  }
__scs_overlays_trampoline_lowered:
0x8: {  	[smem:$0x3FA4] =	sst s0  }
0x9: {  	[smem:$0x3FA5] =	sst s1  }
0xa: {  	[smem:$0x3FA6] =	sst s2  }
0xb: {  	[smem:$0x3FA7] =	sst s3  }
0xc: {  	[smem:$0x3FA8] =	sst s4  }
0xd: {  	[smem:$0x3FA9] =	sst s5  }
0xe: {  	[smem:$0x3FAA] =	sst s6  }
0xf: {  	[smem:$0x3FAB] =	sst s7  }
0x10: {  	[smem:$0x3FAC] =	sst s8  }
0x11: {  	[smem:$0x3FAD] =	sst s9;
	s0 =	simm.s32 @!p0 $0x0  }
0x12: {  	s1 =	sld [smem:$0x3F93];
	s0 =	simm.s32 @p0 $0x1  }
0x13: {  	[smem:$0x3FAE] =	sst s0;
	s0 =	simm.s32 @!p1 $0x0  }
0x14: {  	s2 =	sld [smem:$0x3F92];
	s0 =	simm.s32 @p1 $0x1  }
0x15: {  	[smem:$0x3FAF] =	sst s0;
	s0 =	simm.s32 @!p2 $0x0  }
0x16: {  	s3 =	sld [smem:$0x3FDB];
	s0 =	simm.s32 @p2 $0x1  }
0x17: {  	s4 =	simm.s32 $0x1BF5;
	[smem:$0x3FB1] =	sst s0  }
0x18: {  	s0 =	sld [smem:$0x3F94];
	_ =	swait.ge [sflag:s4], $0x0  }
0x19: {  	s7 =	sld [smem:$0x3F95]  }
0x1a: {  	s8 =	sadd.s32 $0xFFFFE003, lr  }
0x1b: {  	s9 =	sadd.s32 $0xFFFFFEF7, lr;
	s5 =	simm.s32 $0xFFFFFFFF;
	p2 =	slt.u32 s8, $0xFFFFF086  }
0x1c: {  	p1 =	slt.u32 s9, $0xF7A;
	s5 =	simm.s32 @!p2 $0x0  }
0x1d: {  	s5 =	simm.s32 @p1 $0x1;
	p0 =	seq.s32 s7, s2  }
0x1e: {  	s7 =	smul.u32 @!p0 $0xF7A, s2;
	p2 =	seq.s32 @!p0 s5, $0x0  }
0x1f: {  	s9 =	smul.u32 $0xF7A, s1;
	s8 =	simm.s32 @!p0 $0x1BF5;
	p2 =	por !p2, p0  }
0x20: {  	[sflag:s8] =	ssyncset.s32 @!p0 $0xFFFFF086;
	s6 =	sadd.s32 @!p0 s3, s7;
	s7 =	simm.s32 @!p0 $0x108  }
0x21: {  	s3 =	sadd.s32 s3, s9;
	s6 =	sadd.s32 @!p0 $0x88, s6;
	s7 =	simm.s32 @p2 $0x1082  }
0x22: {  	[simem:s7], [sflag:s8] =	dma.local @!p0 [hbm:s6], $0xF7A  }
0x23: {  	s9 =	sor.u32 $0xD0000000, s2;
	s6 =	simm.s32 $0x108;
	_ =	swait.ge @!p0 [sflag:s8], $0x0  }
0x24: {  	s3 =	sadd.s32 $0x88, s3;
	s6 =	simm.s32 @!p1 $0x1082;
	[sflag:s4] =	ssyncset.s32 $0xFFFFF086  }
0x25: {  	[simem:s6], [sflag:s4] =	dma.local [hbm:s3], $0xF7A  }
0x26: {  	[smem:$0x3F95] =	sst s1;
	(tag) =	ssettag s2;
	_ =	strace s9  }
0x27: {  	s1 =	sld [smem:$0x3FA5]  }
0x28: {  	s2 =	sld [smem:$0x3FA6]  }
0x29: {  	s4 =	sld [smem:$0x3FA8]  }
0x2a: {  	p0 =	seq.s32 s5, $0x0;
	s5 =	sld [smem:$0x3FA9]  }
0x2b: {  	s6 =	sld [smem:$0x3FAA]  }
0x2c: {  	s7 =	sld [smem:$0x3FAB]  }
0x2d: {  	s3 =	simm.s32 $0x108;
	s8 =	sld [smem:$0x3FAC]  }
0x2e: {  	s3 =	simm.s32 @!p0 $0x1082;
	s9 =	sld [smem:$0x3FAD]  }
0x2f: {  	lr =	sadd.s32 s0, s3;
	s0 =	sld [smem:$0x3FA4]  }
0x30: {  	s3 =	sld [smem:$0x3FA7]  }
0x31: {  	[smem:$0x3FB0] =	sst s10  }
0x32: {  	s10 =	sld [smem:$0x3FAE];
	_ =	sdelay $0x3  }
0x33: {  	p0 =	seq.s32 s10, $0x1;
	s10 =	sld [smem:$0x3FB0];
	_ =	sdelay $0x3  }
0x34: {  	[smem:$0x3FB0] =	sst s10  }
0x35: {  	s10 =	sld [smem:$0x3FAF];
	_ =	sdelay $0x3  }
0x36: {  	p1 =	seq.s32 s10, $0x1;
	s10 =	sld [smem:$0x3FB0];
	_ =	sdelay $0x3  }
0x37: {  	[smem:$0x3FB0] =	sst s10  }
0x38: {  	s10 =	sld [smem:$0x3FB1]  }
0x39: {  	_ = 	snop;
	(pc) =	sbr.ind lr, $3  }
0x3a: {  	_ = 	snop  }
0x3b: {  	_ = 	snop  }
0x3c: {  	p2 =	seq.s32 s10, $0x1;
	s10 =	sld [smem:$0x3FB0]  }
0x3d: {  	_ =	shalt  }
0x3e: {  	_ =	shalt  }
0x3f: {  	_ =	shalt  }
0x40: {  	_ =	shalt  }
0x41: {  	_ =	shalt  }
0x42: {  	_ =	shalt  }
0x43: {  	_ =	shalt  }
0x44: {  	_ =	shalt  }
0x45: {  	_ =	shalt  }
0x46: {  	_ =	shalt  }
0x47: {  	_ =	shalt  }
0x48: {  	_ =	shalt  }
0x49: {  	_ =	shalt  }
0x4a: {  	_ =	shalt  }
0x4b: {  	_ =	shalt  }
0x4c: {  	_ =	shalt  }
0x4d: {  	_ =	shalt  }
0x4e: {  	_ =	shalt  }
0x4f: {  	_ =	shalt  }
0x50: {  	_ =	shalt  }
0x51: {  	_ =	shalt  }
0x52: {  	_ =	shalt  }
0x53: {  	_ =	shalt  }
0x54: {  	_ =	shalt  }
0x55: {  	_ =	shalt  }
0x56: {  	_ =	shalt  }
0x57: {  	_ =	shalt  }
0x58: {  	_ =	shalt  }
0x59: {  	_ =	shalt  }
0x5a: {  	_ =	shalt  }
0x5b: {  	_ =	shalt  }
0x5c: {  	_ =	shalt  }
0x5d: {  	_ =	shalt  }
0x5e: {  	_ =	shalt  }
0x5f: {  	_ =	shalt  }
0x60: {  	_ =	shalt  }
0x61: {  	_ =	shalt  }
0x62: {  	_ =	shalt  }
0x63: {  	_ =	shalt  }
0x64: {  	_ =	shalt  }
0x65: {  	_ =	shalt  }
0x66: {  	_ =	shalt  }
0x67: {  	_ =	shalt  }
0x68: {  	_ =	shalt  }
0x69: {  	_ =	shalt  }
0x6a: {  	_ =	shalt  }
0x6b: {  	_ =	shalt  }
0x6c: {  	_ =	shalt  }
0x6d: {  	_ =	shalt  }
0x6e: {  	_ =	shalt  }
0x6f: {  	_ =	shalt  }
0x70: {  	_ =	shalt  }
0x71: {  	_ =	shalt  }
0x72: {  	_ =	shalt  }
0x73: {  	_ =	shalt  }
0x74: {  	_ =	shalt  }
0x75: {  	_ =	shalt  }
0x76: {  	_ =	shalt  }
0x77: {  	_ =	shalt  }
0x78: {  	_ =	shalt  }
0x79: {  	_ =	shalt  }
0x7a: {  	_ =	shalt  }
0x7b: {  	_ =	shalt  }
0x7c: {  	_ =	shalt  }
0x7d: {  	_ =	shalt  }
0x7e: {  	_ =	shalt  }
0x7f: {  	_ =	shalt  }
0x80: {  	_ =	shalt  }
0x81: {  	_ =	shalt  }
0x82: {  	_ =	shalt  }
0x83: {  	_ =	shalt  }
0x84: {  	_ =	shalt  }
0x85: {  	_ =	shalt  }
0x86: {  	_ =	shalt  }
0x87: {  	_ =	shalt  }
.Lfunc_end0:
.L_simem_size_0:
called_computation.1_lowered:
.L_overlay_start_0:
0x88: {  	s2 =	sld [smem:$0x3FD9]  }
0x89: {  	s3 =	sld [smem:$0x3FFE];
	_ =	sdelay $0x1  }
0x8a: {  	s1 =	srdreg.scid  }
0x8b: {  	s0 =	sand.u32 $0x1, s1  }
0x8c: {  	s17 =	sshll.u32 s0, $0xA;
	s2 =	sadd.s32 s3, s2  }
0x8d: {  	s2 =	sadd.s32 s2, s17  }
0x8e: {  	[smem:$0x3FBC] =	sst s2  }
0x8f: {  	_ = 	snop  }
0x90: {  	s2 =	sld [smem:$0x3FD0];
	(tm) =	ssettm $0x1  }
0x91: {  	s18 =	sld [smem:$0x3FFB];
	_ =	sdelay $0x3  }
0x92: {  	_ =	strace s18  }
0x93: {  	s3 =	sld [smem:$0x3FFC];
	_ =	sdelay $0x3  }
0x94: {  	_ =	strace s3  }
0x95: {  	s3 =	sld [smem:$0x3FFD];
	_ =	sdelay $0x3  }
0x96: {  	_ =	strace s3  }
0x97: {  	_ =	strace $0x8FFFFFFF  }
0x98: {  	s19 =	sld [smem:$0x3FDB];
	_ =	sdelay $0x1  }
0x99: {  	s4 =	simm.s32 $_scs_section_size  }
0x9a: {  	s5 =	simm.s32 $_size__tile_overlayer_lowered;
	s6 =	simm.s32 $_tile_overlayer_lowered  }
0x9b: {  	s22 =	simm.s32 $0x1BFF;
	s21 =	sshll.u32 s6, $0x1;
	s3 =	sadd.s32 s4, s19  }
0x9c: {  	s7 =	simm.s32 $0x0;
	s20 =	sshll.u32 s5, $0x1;
	s5 =	sadd.s32 s21, s3  }
0x9d: {  	[timem:s7], [sflag:s22] =	dma.local [hbm:s5], s20  }
0x9e: {  	_ =	swait.ge [sflag:s22], s20  }
0x9f: {  	s4 =	ssub.s32 $0x0, s20;
	[sflag:s22] =	ssyncset.done $0x0  }
0xa0: {  	[sflag:s22] =	ssyncadd.s32 s4;
	_ =	sdelay $0x1  }
0xa1: {  	s23 =	simm.s32 $0x1B8B  }
0xa2: {  	_ =	swait.ge [sflag:s23], $0x1  }
0xa3: {  	[sflag:s23] =	ssyncset.done $0x0  }
0xa4: {  	s25 =	simm.s32 $0x1B8E;
	s24 =	sld [smem:$0x3FFE];
	[sflag:s23] =	ssyncadd.s32 $0xFFFFFFFF  }
0xa5: {  	s26 =	simm.s32 $execute0_lowered;
	[smem:$0x3FD2] =	sst s25  }
0xa6: {  	s5 =	sshll.u32 s26, $0x1;
	_ =	strace $0x80000049;
	[dreg:$0x1] =	wrdreg $0xFFFFFFFF  }
0xa7: {  	s28 =	simm.s32 $_size_execute0_lowered;
	s3 =	sadd.s32 s3, s5;
	[dreg:$0x0] =	wrdreg $0x0  }
0xa8: {  	s5 =	sshll.u32 s28, $0x1;
	[dreg:$0x2] =	wrdreg s3  }
0xa9: {  	[dreg:$0x3] =	wrdreg s5  }
0xaa: {  	[dreg:$0x4] =	wrdreg $0xC0  }
0xab: {  	_ =	task [dreg:s7], $0x5FFFF  }
0xac: {  	[dreg:$0x1] =	wrdreg $0xFFFFFFFF  }
0xad: {  	[dreg:$0x0] =	wrdreg $0x60  }
0xae: {  	[dreg:$0x2] =	wrdreg s2  }
0xaf: {  	[dreg:$0x3] =	wrdreg s24  }
0xb0: {  	[dreg:$0x4] =	wrdreg $0x0  }
0xb1: {  	[dreg:$0x5] =	wrdreg $0x9  }
0xb2: {  	_ =	task.clear_ibuf [dreg:s7], $0x6FFFF;
	_ =	strace $0x90000049  }
0xb3: {  	s29 =	simm.s32 $0x9;
	_ =	strace $0x8000004B  }
0xb4: {  	_ =	swait.ge [sflag:s29], $0x1  }
0xb5: {  	[sflag:s29] =	ssyncadd.s32 $0xFFFFFFFF  }
0xb6: {  	_ =	strace $0x9000004B  }
0xb7: {  	_ =	sfence  }
0xb8: {  	s30 =	sld [smem:$0x0];
	_ =	sdelay $0x2  }
0xb9: {  	s31 =	sshll.u32 s1, $0xD;
	s1 =	sshrl.u32 s1, $0x2  }
0xba: {  	s3 =	sand.u32 $0x4000, s31;
	s1 =	sadd.s32 s1, s30  }
0xbb: {  	s0 =	sor.u32 s3, s0;
	s1 =	sshll.u32 s1, $0x11  }
0xbc: {  	s0 =	sor.u32 s1, s0  }
0xbd: {  	s0 =	sadd.s32 $0x8F2B, s0  }
0xbe: {  	[sflag:s0] =	ssyncadd.remote.s32 $0x1  }
0xbf: {  	_ =	sfence.sel $0xFFFF  }
0xc0: {  	[dreg:$0x0] =	wrdreg $0xFFFFFFFF;
	(pc) =	sbr.abs _section_cstart, $3  }
0xc1: {  	[dreg:$0x1] =	wrdreg $0xFFFFFFFF  }
0xc2: {  	_ =	task.clear_ibuf [dreg:s7], $0x2FFFF;
	_ =	strace $0x9FFFFFFF  }
0xc3: {  	(tm) =	ssettm $0x7FFFFFFF  }
tec
execute0_lowered:
.L_overlay_start_1:
0x0: {  	(tag) =	ssettag $0x1  }
0x1: {  	s0 =	rddreg [dreg:$0x0]  }
0x2: {  	s1 =	srdreg.scid;
	s2 =	rddreg [dreg:$0x1]  }
0x3: {  	s3 =	rddreg [dreg:$0x2];
	s10 =	stileid.u32;
	s4 =	simm.s32 $0x0  }
0x4: {  	s31 =	simm.s32 $0x80;
	s1 =	sand.u32 $0x1, s1;
	s8 =	smul.u32 $0x50000, s10  }
0x5: {  	[smem:$0x7FF] =	sst s4;
	s9 =	sadd.s32 $0x24A00, s2;
	s22 =	smul.u32 $0x280, s10  }
0x6: {  	s5 =	sshll.u32 s1, $0x4;
	_ =	strace $0x8000004A;
	s7 =	ssub.s32 $0x2, s1  }
0x7: {  	[dreg:$0x4] =	wrdreg s9;
	s1 =	smul.u32 $0x2800, s1;
	s5 =	sor.u32 s10, s5  }
0x8: {  	s20 =	sshrl.u32 s7, $0x1;
	s21 =	sshrl.u32 s8, $0x2;
	s17 =	sadd.s32 $0x80, s22  }
0x9: {  	s19 =	sadd.s32 $0x100, s22;
	s6 =	smul.u32 $0x500, s5;
	s5 =	sadd.s32 $0x75200, s2  }
0xa: {  	s11 =	ssub.s32 s7, s20;
	s7 =	sadd.s32 s21, s3;
	s24 =	sadd.s32 s1, s22  }
0xb: {  	s25 =	sadd.s32 s1, s17;
	s17 =	sshll.u32 s17, $0x7;
	s26 =	sadd.s32 s1, s19  }
0xc: {  	s19 =	sshll.u32 s19, $0x7;
	s11 =	smax.u32 s11, $0x1;
	s12 =	sadd.s32 $0x4000, s7  }
0xd: {  	s13 =	sadd.s32 $0x8000, s7;
	s14 =	sadd.s32 $0xC000, s7;
	s15 =	sadd.s32 $0x10000, s7  }
0xe: {  	s17 =	sadd.s32 s17, s3;
	s19 =	sadd.s32 s19, s3;
	s6 =	sadd.s32 s6, s2  }
0xf: {  	s2 =	sadd.s32 $0x25200, s2;
	s23 =	sadd.s32 $0x10A00, s6;
	s9 =	sadd.s32 $0x6A00, s6  }
0x10: {  	s10 =	sadd.s32 $0x1AA00, s6;
	s6 =	sshll.u32 s24, $0x4;
	[dreg:$0x5] =	wrdreg s23  }
0x11: {  	s16 =	sadd.s32 s2, s6;
	s6 =	sshll.u32 s25, $0x4;
	s23 =	sadd.s32 $0x180, s22  }
0x12: {  	s22 =	sadd.s32 $0x200, s22;
	s25 =	simm.s32 $0x1B800;
	s18 =	sadd.s32 s2, s6  }
0x13: {  	s6 =	sshll.u32 s26, $0x4;
	s28 =	sshll.u32 s23, $0x7;
	s29 =	sadd.s32 s1, s23  }
0x14: {  	s1 =	sadd.s32 s1, s22;
	s30 =	sshll.u32 s22, $0x7;
	s26 =	simm.s32 $0x2  }
0x15: {  	s20 =	sadd.s32 s2, s6;
	s21 =	sadd.s32 s28, s3;
	s6 =	sshll.u32 s29, $0x4  }
0x16: {  	s23 =	sadd.s32 s30, s3;
	s1 =	sshll.u32 s1, $0x4;
	s22 =	sadd.s32 s2, s6  }
0x17: {  	s24 =	sadd.s32 s2, s1;
	s1 =	simm.s32 $0x1;
	s2 =	simm.s32 $0x0  }
.LBB2_1:
0x18: {  	s6 =	rddreg [dreg:$0x4]  }
0x19: {  	[tilespmem:s25], [sflag:$0x2] =	stream.linear.gather [hbm4b:s6+s4], $0x4000, $0x38;
	[tilespmem:$0x1F800] =	vst v63  }
0x1a: {  	_ =	swait.ge [sflag:s26], $0x4000  }
0x1b: {  	[sflag:s26] =	ssyncset.done $0x0  }
0x1c: {  	[sflag:s26] =	ssyncadd.s32 $0xFFFFC000  }
0x1d: {  	[spmem:s7] =	stream.linear.scatter [tilespmem:s25], [sflag:$0x2], $0x4000, $0x38;
	[tilespmem:$0x1F800] =	vst v63  }
0x1e: {  	_ =	swait.ge [sflag:s26], $0x4000  }
0x1f: {  	[sflag:s26] =	ssyncset.done $0x0  }
0x20: {  	[sflag:s26] =	ssyncadd.s32 $0xFFFFC000  }
0x21: {  	[spmem:s12] =	stream.linear.scatter [tilespmem:s25], [sflag:$0x2], $0x4000, $0x38;
	[tilespmem:$0x1F800] =	vst v63  }
0x22: {  	_ =	swait.ge [sflag:s26], $0x4000  }
0x23: {  	[sflag:s26] =	ssyncset.done $0x0  }
0x24: {  	[sflag:s26] =	ssyncadd.s32 $0xFFFFC000  }
0x25: {  	[spmem:s13] =	stream.linear.scatter [tilespmem:s25], [sflag:$0x2], $0x4000, $0x38;
	[tilespmem:$0x1F800] =	vst v63  }
0x26: {  	_ =	swait.ge [sflag:s26], $0x4000  }
0x27: {  	[sflag:s26] =	ssyncset.done $0x0  }
0x28: {  	[sflag:s26] =	ssyncadd.s32 $0xFFFFC000  }
0x29: {  	[spmem:s14] =	stream.linear.scatter [tilespmem:s25], [sflag:$0x2], $0x4000, $0x38;
	[tilespmem:$0x1F800] =	vst v63  }
0x2a: {  	_ =	swait.ge [sflag:s26], $0x4000  }
0x2b: {  	[sflag:s26] =	ssyncset.done $0x0  }
0x2c: {  	[sflag:s26] =	ssyncadd.s32 $0xFFFFC000  }
0x2d: {  	[spmem:s15] =	stream.linear.scatter [tilespmem:s25], [sflag:$0x2], $0x4000, $0x38;
	[tilespmem:$0x1F800] =	vst v63  }
0x2e: {  	_ =	swait.ge [sflag:s26], $0x4000  }
0x2f: {  	[sflag:s26] =	ssyncset.done $0x0  }
0x30: {  	s8 =	simm.s32 $0x14000;
	s30 =	rddreg [dreg:$0x5];
	[sflag:s26] =	ssyncadd.s32 $0xFFFFC000  }
0x31: {  	[tilespmem:s8], [sflag:$0x2] =	stream.linear.gather [hbm4b:s30+s4], $0x2800, $0x38;
	[tilespmem:$0x1F800] =	vst v63  }
0x32: {  	_ =	swait.ge [sflag:s26], $0x2800  }
0x33: {  	[sflag:s26] =	ssyncset.done $0x0  }
0x34: {  	s29 =	simm.s32 $0x16800;
	[sflag:s26] =	ssyncadd.s32 $0xFFFFD800  }
0x35: {  	[tilespmem:s29], [sflag:$0x2] =	stream.linear.gather [hbm4b:s9+s4], $0x2800, $0x38;
	[tilespmem:$0x1F800] =	vst v63  }
0x36: {  	_ =	swait.ge [sflag:s26], $0x2800  }
0x37: {  	[sflag:s26] =	ssyncset.done $0x0  }
0x38: {  	s30 =	simm.s32 $0x19000;
	[sflag:s26] =	ssyncadd.s32 $0xFFFFD800  }
0x39: {  	[tilespmem:s30], [sflag:$0x2] =	stream.linear.gather [hbm4b:s10+s4], $0x2800, $0x38;
	[tilespmem:$0x1F800] =	vst v63  }
0x3a: {  	_ =	swait.ge [sflag:s26], $0x2800  }
0x3b: {  	[sflag:s26] =	ssyncset.done $0x0  }
0x3c: {  	[sflag:s26] =	ssyncadd.s32 $0xFFFFD800  }
0x3d: {  	s28 =	simm.s32 $0x0;
	[bflag:$0x0] =	sbarrier.arrive $0xFFFF  }
.LBB2_2:
0x3e: {  	s29 =	sshll.u32 s28, $0x7  }
0x3f: {  	s6 =	sadd.s32 $0x16800, s29  }
0x40: {  	[tilespmem:s25], [sflag:$0x1] =	stream.indirect.gather [hbm4b:s5+s31], $0x80, s6, s31, $0xb8;
	[tilespmem:$0x1F800] =	vst v63  }
0x41: {  	_ =	swait.ge [sflag:s1], $0x4000  }
0x42: {  	[sflag:s1] =	ssyncset.done $0x0  }
0x43: {  	s8 =	sadd.s32 $0x14000, s29;
	[sflag:s1] =	ssyncadd.s32 $0xFFFFC000  }
0x44: {  	[tilespmem:s25], [sflag:$0x1] =	stream.indirect.gather.add.f32 [hbm:s0], $0x80, s8, s31, $0xb8;
	[tilespmem:$0x1F800] =	vst v63  }
0x45: {  	_ =	swait.ge [sflag:s1], $0x4000  }
0x46: {  	[sflag:s1] =	ssyncset.done $0x0  }
0x47: {  	s30 =	simm.s32 $0x0;
	[sflag:s1] =	ssyncadd.s32 $0xFFFFC000  }
0x48: {  	v2 =	vld [tilespmem:s30+$0x1B800]  }
0x49: {  	v4 =	vld [tilespmem:s30+$0x1B810]  }
0x4a: {  	v3 =	vld [tilespmem:s30+$0x1B820]  }
0x4b: {  	v1 =	vld [tilespmem:s30+$0x1B830]  }
0x4c: {  	v0 =	vld [tilespmem:s30+$0x1B840]  }
0x4d: {  	v5 =	vmax.f32 v2, $0.0e+00;
	v2 =	vld [tilespmem:s30+$0x1B850]  }
0x4e: {  	s6 =	simm.s32 $0x200;
	[tilespmem:s30+$0x1B800] =	vst v5;
	v5 =	vmax.f32 v4, $0.0e+00;
	v4 =	vld [tilespmem:s30+$0x1B860]  }
.LBB2_3:
0x4f: {  	s8 =	sshra.s32 s6, $0x2;
	p0 =	sne.s32 s6, $0xFE00;
	[tilespmem:s30+$0x1B810] =	vst v5;
	v3 =	vmax.f32 v3, $0.0e+00;
	v5 =	vld [tilespmem:s30+$0x1B870]  }
0x50: {  	v6 =	vld [tilespmem:s8+$0x1B800];
	[tilespmem:s30+$0x1B820] =	vst v3;
	v1 =	vmax.f32 v1, $0.0e+00  }
0x51: {  	v7 =	vld [tilespmem:s8+$0x1B810];
	[tilespmem:s30+$0x1B830] =	vst v1;
	v0 =	vmax.f32 v0, $0.0e+00  }
.Ltmp0:
0x52: {  	v3 =	vld [tilespmem:s8+$0x1B820];
	[tilespmem:s30+$0x1B840] =	vst v0;
	v0 =	vmax.f32 v2, $0.0e+00;
	(pc) =	sbr.rel @p0 .LBB2_3-.Ltmp0, $4  }
0x53: {  	v1 =	vld [tilespmem:s8+$0x1B830];
	[tilespmem:s30+$0x1B850] =	vst v0;
	v2 =	vmax.f32 v4, $0.0e+00  }
0x54: {  	v0 =	vld [tilespmem:s8+$0x1B840];
	[tilespmem:s30+$0x1B860] =	vst v2;
	v4 =	vmax.f32 v5, $0.0e+00  }
0x55: {  	v5 =	vmax.f32 v6, $0.0e+00;
	v2 =	vld [tilespmem:s8+$0x1B850];
	[tilespmem:s30+$0x1B870] =	vst v4;
	s30 =	smov.u32 s8  }
0x56: {  	s6 =	sadd.s32 $0x200, s6;
	[tilespmem:s30+$0x1B800] =	vst v5;
	v5 =	vmax.f32 v7, $0.0e+00;
	v4 =	vld [tilespmem:s30+$0x1B860]  }
0x57: {  	[tilespmem:s30+$0x1B810] =	vst v5;
	v3 =	vmax.f32 v3, $0.0e+00;
	v60 =	vld [tilespmem:s30+$0x1B870]  }
0x58: {  	[tilespmem:s30+$0x1B820] =	vst v3;
	v1 =	vmax.f32 v1, $0.0e+00  }
0x59: {  	[tilespmem:s30+$0x1B830] =	vst v1;
	v0 =	vmax.f32 v0, $0.0e+00  }
0x5a: {  	[tilespmem:s30+$0x1B840] =	vst v0;
	v61 =	vmax.f32 v2, $0.0e+00  }
0x5b: {  	s28 =	sadd.s32 $0x1, s28;
	[tilespmem:s30+$0x1B850] =	vst v61;
	v62 =	vmax.f32 v4, $0.0e+00  }
0x5c: {  	p0 =	sne.s32 s28, $0x50;
	[tilespmem:s30+$0x1B860] =	vst v62;
	v63 =	vmax.f32 v60, $0.0e+00  }
.Ltmp1:
0x5d: {  	s6 =	sadd.s32 $0x19000, s29;
	[tilespmem:s30+$0x1B870] =	vst v63;
	(pc) =	sbr.rel @p0 .LBB2_2-.Ltmp1, $4  }
0x5e: {  	[spmem:s3] =	stream.indirect.scatter.add.f32 [tilespmem:s25], [sflag:$0x2], $0x80, s6, s31, $0xb8;
	[tilespmem:$0x1F800] =	vst v63  }
0x5f: {  	_ =	swait.ge [sflag:s26], $0x4000  }
0x60: {  	[sflag:s26] =	ssyncset.done $0x0  }
0x61: {  	[sflag:s26] =	ssyncadd.s32 $0xFFFFC000  }
0x62: {  	[bflag:$0x0] =	sbarrier.arrive $0xFFFF  }
0x63: {  	[tilespmem:s25], [sflag:$0x2] =	stream.linear.gather [spmem:s7], $0x4000, $0x38;
	[tilespmem:$0x1F800] =	vst v63  }
0x64: {  	_ =	swait.ge [sflag:s26], $0x4000  }
0x65: {  	[sflag:s26] =	ssyncset.done $0x0  }
0x66: {  	[sflag:s26] =	ssyncadd.s32 $0xFFFFC000  }
0x67: {  	[hbm4b:s16+s4] =	stream.linear.scatter [tilespmem:s25], [sflag:$0x2], $0x4000, $0x38;
	[tilespmem:$0x1F800] =	vst v63  }
0x68: {  	_ =	swait.ge [sflag:s26], $0x4000  }
0x69: {  	[sflag:s26] =	ssyncset.done $0x0  }
0x6a: {  	[sflag:s26] =	ssyncadd.s32 $0xFFFFC000  }
0x6b: {  	[tilespmem:s25], [sflag:$0x2] =	stream.linear.gather [spmem:s17], $0x4000, $0x38;
	[tilespmem:$0x1F800] =	vst v63  }
0x6c: {  	_ =	swait.ge [sflag:s26], $0x4000  }
0x6d: {  	[sflag:s26] =	ssyncset.done $0x0  }
0x6e: {  	[sflag:s26] =	ssyncadd.s32 $0xFFFFC000  }
0x6f: {  	[hbm4b:s18+s4] =	stream.linear.scatter [tilespmem:s25], [sflag:$0x2], $0x4000, $0x38;
	[tilespmem:$0x1F800] =	vst v63  }
0x70: {  	_ =	swait.ge [sflag:s26], $0x4000  }
0x71: {  	[sflag:s26] =	ssyncset.done $0x0  }
0x72: {  	[sflag:s26] =	ssyncadd.s32 $0xFFFFC000  }
0x73: {  	[tilespmem:s25], [sflag:$0x2] =	stream.linear.gather [spmem:s19], $0x4000, $0x38;
	[tilespmem:$0x1F800] =	vst v63  }
0x74: {  	_ =	swait.ge [sflag:s26], $0x4000  }
0x75: {  	[sflag:s26] =	ssyncset.done $0x0  }
0x76: {  	[sflag:s26] =	ssyncadd.s32 $0xFFFFC000  }
0x77: {  	[hbm4b:s20+s4] =	stream.linear.scatter [tilespmem:s25], [sflag:$0x2], $0x4000, $0x38;
	[tilespmem:$0x1F800] =	vst v63  }
0x78: {  	_ =	swait.ge [sflag:s26], $0x4000  }
0x79: {  	[sflag:s26] =	ssyncset.done $0x0  }
0x7a: {  	[sflag:s26] =	ssyncadd.s32 $0xFFFFC000  }
0x7b: {  	[tilespmem:s25], [sflag:$0x2] =	stream.linear.gather [spmem:s21], $0x4000, $0x38;
	[tilespmem:$0x1F800] =	vst v63  }
0x7c: {  	_ =	swait.ge [sflag:s26], $0x4000  }
0x7d: {  	[sflag:s26] =	ssyncset.done $0x0  }
0x7e: {  	[sflag:s26] =	ssyncadd.s32 $0xFFFFC000  }
0x7f: {  	[hbm4b:s22+s4] =	stream.linear.scatter [tilespmem:s25], [sflag:$0x2], $0x4000, $0x38;
	[tilespmem:$0x1F800] =	vst v63  }
0x80: {  	_ =	swait.ge [sflag:s26], $0x4000  }
0x81: {  	[sflag:s26] =	ssyncset.done $0x0  }
0x82: {  	[sflag:s26] =	ssyncadd.s32 $0xFFFFC000  }
0x83: {  	[tilespmem:s25], [sflag:$0x2] =	stream.linear.gather [spmem:s23], $0x4000, $0x38;
	[tilespmem:$0x1F800] =	vst v63  }
0x84: {  	s2 =	sadd.s32 $0x1, s2;
	_ =	swait.ge [sflag:s26], $0x4000  }
0x85: {  	p0 =	sne.s32 s2, s11;
	[sflag:s26] =	ssyncset.done $0x0  }
.Ltmp2:
0x86: {  	[sflag:s26] =	ssyncadd.s32 $0xFFFFC000;
	(pc) =	sbr.rel @p0 .LBB2_1-.Ltmp2, $4  }
0x87: {  	[hbm4b:s24+s4] =	stream.linear.scatter [tilespmem:s25], [sflag:$0x2], $0x4000, $0x38;
	[tilespmem:$0x1F800] =	vst v63  }
0x88: {  	_ =	swait.ge [sflag:s26], $0x4000  }
0x89: {  	[sflag:s26] =	ssyncset.done $0x0  }
0x8a: {  	[sflag:s26] =	ssyncadd.s32 $0xFFFFC000  }
0x8b: {  	_ =	sfence.sel $0x180000  }
0x8c: {  	[bflag:$0x0] =	sbarrier.arrive $0xFFFF  }
0x8d: {  	_ =	strace $0x9000004A  }
0x8e: {  	s0 =	stileid.u32;
	[bflag:$0x2] =	sbarrier.arrive $0xFFFF  }
0x8f: {  	p0 =	sne.s32 s0, $0x0;
	s0 =	rddreg [dreg:$0x3]  }
0x90: {  	s0 =	sadd.s32 @!p0 $0x100000, s0  }
0x91: {  	[sflag:s0] =	ssyncadd.tile.s32 @!p0 $0x1;
	_ =	shalt  }
.Lfunc_end2:
_tile_overlayer_lowered:
.L_overlay_start_2:
0x92: {  	(tag) =	ssettag $0x2  }
0x93: {  	s0 =	rddreg [dreg:$0x0];
	s2 =	stileid.u32  }
0x94: {  	s1 =	rddreg [dreg:$0x1];
	p0 =	sne.s32 s2, $0x0  }
0x95: {  	s3 =	rddreg [dreg:$0x2];
	[bflag:$0x3] =	sbarrier.arrive $0xFFFF;
	s2 =	simm.s32 @!p0 $0x1C02  }
0x96: {  	[timem:s3], [sflag:s2] =	dma.local @!p0 [hbm:s0], s1  }
0x97: {  	s0 =	simm.s32 @!p0 $0x2  }
0x98: {  	_ =	swait.ge @!p0 [sflag:s0], s1  }
0x99: {  	s1 =	ssub.s32 @!p0 $0x0, s1;
	[sflag:s0] =	ssyncset.done @!p0 $0x0  }
0x9a: {  	[sflag:s0] =	ssyncadd.s32 @!p0 s1  }
0x9b: {  	[bflag:$0x3] =	sbarrier.arrive $0xFFFF  }
0x9c: {  	_ =	shalt  }

// kernel: kernel.15.cloned.1.call-start
scs
__scs_entry_jumppad:
0x0: {  	(pc) =	sbr.rel $0x88, $3  }
0x1: {  	(tag) =	ssettag $0x0;
	lr =	simm.s32 $0x1  }
0x2: {  	[smem:$0x3F95] =	sst lr;
	_ =	strace $0xD0000000  }
0x3: {  	_ = 	snop  }
0x4: {  	_ = 	snop  }
0x5: {  	_ = 	snop  }
0x6: {  	_ = 	snop  }
0x7: {  	_ = 	snop  }
__scs_overlays_trampoline_lowered:
0x8: {  	[smem:$0x3FA4] =	sst s0  }
0x9: {  	[smem:$0x3FA5] =	sst s1  }
0xa: {  	[smem:$0x3FA6] =	sst s2  }
0xb: {  	[smem:$0x3FA7] =	sst s3  }
0xc: {  	[smem:$0x3FA8] =	sst s4  }
0xd: {  	[smem:$0x3FA9] =	sst s5  }
0xe: {  	[smem:$0x3FAA] =	sst s6  }
0xf: {  	[smem:$0x3FAB] =	sst s7  }
0x10: {  	[smem:$0x3FAC] =	sst s8  }
0x11: {  	[smem:$0x3FAD] =	sst s9;
	s0 =	simm.s32 @!p0 $0x0  }
0x12: {  	s1 =	sld [smem:$0x3F93];
	s0 =	simm.s32 @p0 $0x1  }
0x13: {  	[smem:$0x3FAE] =	sst s0;
	s0 =	simm.s32 @!p1 $0x0  }
0x14: {  	s2 =	sld [smem:$0x3F92];
	s0 =	simm.s32 @p1 $0x1  }
0x15: {  	[smem:$0x3FAF] =	sst s0;
	s0 =	simm.s32 @!p2 $0x0  }
0x16: {  	s3 =	sld [smem:$0x3FDB];
	s0 =	simm.s32 @p2 $0x1  }
0x17: {  	s4 =	simm.s32 $0x1BF5;
	[smem:$0x3FB1] =	sst s0  }
0x18: {  	s0 =	sld [smem:$0x3F94];
	_ =	swait.ge [sflag:s4], $0x0  }
0x19: {  	s7 =	sld [smem:$0x3F95]  }
0x1a: {  	s8 =	sadd.s32 $0xFFFFE003, lr  }
0x1b: {  	s9 =	sadd.s32 $0xFFFFFEF7, lr;
	s5 =	simm.s32 $0xFFFFFFFF;
	p2 =	slt.u32 s8, $0xFFFFF086  }
0x1c: {  	p1 =	slt.u32 s9, $0xF7A;
	s5 =	simm.s32 @!p2 $0x0  }
0x1d: {  	s5 =	simm.s32 @p1 $0x1;
	p0 =	seq.s32 s7, s2  }
0x1e: {  	s7 =	smul.u32 @!p0 $0xF7A, s2;
	p2 =	seq.s32 @!p0 s5, $0x0  }
0x1f: {  	s9 =	smul.u32 $0xF7A, s1;
	s8 =	simm.s32 @!p0 $0x1BF5;
	p2 =	por !p2, p0  }
0x20: {  	[sflag:s8] =	ssyncset.s32 @!p0 $0xFFFFF086;
	s6 =	sadd.s32 @!p0 s3, s7;
	s7 =	simm.s32 @!p0 $0x108  }
0x21: {  	s3 =	sadd.s32 s3, s9;
	s6 =	sadd.s32 @!p0 $0x88, s6;
	s7 =	simm.s32 @p2 $0x1082  }
0x22: {  	[simem:s7], [sflag:s8] =	dma.local @!p0 [hbm:s6], $0xF7A  }
0x23: {  	s9 =	sor.u32 $0xD0000000, s2;
	s6 =	simm.s32 $0x108;
	_ =	swait.ge @!p0 [sflag:s8], $0x0  }
0x24: {  	s3 =	sadd.s32 $0x88, s3;
	s6 =	simm.s32 @!p1 $0x1082;
	[sflag:s4] =	ssyncset.s32 $0xFFFFF086  }
0x25: {  	[simem:s6], [sflag:s4] =	dma.local [hbm:s3], $0xF7A  }
0x26: {  	[smem:$0x3F95] =	sst s1;
	(tag) =	ssettag s2;
	_ =	strace s9  }
0x27: {  	s1 =	sld [smem:$0x3FA5]  }
0x28: {  	s2 =	sld [smem:$0x3FA6]  }
0x29: {  	s4 =	sld [smem:$0x3FA8]  }
0x2a: {  	p0 =	seq.s32 s5, $0x0;
	s5 =	sld [smem:$0x3FA9]  }
0x2b: {  	s6 =	sld [smem:$0x3FAA]  }
0x2c: {  	s7 =	sld [smem:$0x3FAB]  }
0x2d: {  	s3 =	simm.s32 $0x108;
	s8 =	sld [smem:$0x3FAC]  }
0x2e: {  	s3 =	simm.s32 @!p0 $0x1082;
	s9 =	sld [smem:$0x3FAD]  }
0x2f: {  	lr =	sadd.s32 s0, s3;
	s0 =	sld [smem:$0x3FA4]  }
0x30: {  	s3 =	sld [smem:$0x3FA7]  }
0x31: {  	[smem:$0x3FB0] =	sst s10  }
0x32: {  	s10 =	sld [smem:$0x3FAE];
	_ =	sdelay $0x3  }
0x33: {  	p0 =	seq.s32 s10, $0x1;
	s10 =	sld [smem:$0x3FB0];
	_ =	sdelay $0x3  }
0x34: {  	[smem:$0x3FB0] =	sst s10  }
0x35: {  	s10 =	sld [smem:$0x3FAF];
	_ =	sdelay $0x3  }
0x36: {  	p1 =	seq.s32 s10, $0x1;
	s10 =	sld [smem:$0x3FB0];
	_ =	sdelay $0x3  }
0x37: {  	[smem:$0x3FB0] =	sst s10  }
0x38: {  	s10 =	sld [smem:$0x3FB1]  }
0x39: {  	_ = 	snop;
	(pc) =	sbr.ind lr, $3  }
0x3a: {  	_ = 	snop  }
0x3b: {  	_ = 	snop  }
0x3c: {  	p2 =	seq.s32 s10, $0x1;
	s10 =	sld [smem:$0x3FB0]  }
0x3d: {  	_ =	shalt  }
0x3e: {  	_ =	shalt  }
0x3f: {  	_ =	shalt  }
0x40: {  	_ =	shalt  }
0x41: {  	_ =	shalt  }
0x42: {  	_ =	shalt  }
0x43: {  	_ =	shalt  }
0x44: {  	_ =	shalt  }
0x45: {  	_ =	shalt  }
0x46: {  	_ =	shalt  }
0x47: {  	_ =	shalt  }
0x48: {  	_ =	shalt  }
0x49: {  	_ =	shalt  }
0x4a: {  	_ =	shalt  }
0x4b: {  	_ =	shalt  }
0x4c: {  	_ =	shalt  }
0x4d: {  	_ =	shalt  }
0x4e: {  	_ =	shalt  }
0x4f: {  	_ =	shalt  }
0x50: {  	_ =	shalt  }
0x51: {  	_ =	shalt  }
0x52: {  	_ =	shalt  }
0x53: {  	_ =	shalt  }
0x54: {  	_ =	shalt  }
0x55: {  	_ =	shalt  }
0x56: {  	_ =	shalt  }
0x57: {  	_ =	shalt  }
0x58: {  	_ =	shalt  }
0x59: {  	_ =	shalt  }
0x5a: {  	_ =	shalt  }
0x5b: {  	_ =	shalt  }
0x5c: {  	_ =	shalt  }
0x5d: {  	_ =	shalt  }
0x5e: {  	_ =	shalt  }
0x5f: {  	_ =	shalt  }
0x60: {  	_ =	shalt  }
0x61: {  	_ =	shalt  }
0x62: {  	_ =	shalt  }
0x63: {  	_ =	shalt  }
0x64: {  	_ =	shalt  }
0x65: {  	_ =	shalt  }
0x66: {  	_ =	shalt  }
0x67: {  	_ =	shalt  }
0x68: {  	_ =	shalt  }
0x69: {  	_ =	shalt  }
0x6a: {  	_ =	shalt  }
0x6b: {  	_ =	shalt  }
0x6c: {  	_ =	shalt  }
0x6d: {  	_ =	shalt  }
0x6e: {  	_ =	shalt  }
0x6f: {  	_ =	shalt  }
0x70: {  	_ =	shalt  }
0x71: {  	_ =	shalt  }
0x72: {  	_ =	shalt  }
0x73: {  	_ =	shalt  }
0x74: {  	_ =	shalt  }
0x75: {  	_ =	shalt  }
0x76: {  	_ =	shalt  }
0x77: {  	_ =	shalt  }
0x78: {  	_ =	shalt  }
0x79: {  	_ =	shalt  }
0x7a: {  	_ =	shalt  }
0x7b: {  	_ =	shalt  }
0x7c: {  	_ =	shalt  }
0x7d: {  	_ =	shalt  }
0x7e: {  	_ =	shalt  }
0x7f: {  	_ =	shalt  }
0x80: {  	_ =	shalt  }
0x81: {  	_ =	shalt  }
0x82: {  	_ =	shalt  }
0x83: {  	_ =	shalt  }
0x84: {  	_ =	shalt  }
0x85: {  	_ =	shalt  }
0x86: {  	_ =	shalt  }
0x87: {  	_ =	shalt  }
.Lfunc_end0:
.L_simem_size_0:
called_computation.2_lowered:
.L_overlay_start_0:
0x88: {  	s2 =	sld [smem:$0x3FD9]  }
0x89: {  	s3 =	sld [smem:$0x3FFE];
	_ =	sdelay $0x1  }
0x8a: {  	s1 =	srdreg.scid  }
0x8b: {  	s0 =	sand.u32 $0x1, s1  }
0x8c: {  	s17 =	sshll.u32 s0, $0xA;
	s2 =	sadd.s32 s3, s2  }
0x8d: {  	s2 =	sadd.s32 s2, s17  }
0x8e: {  	[smem:$0x3FBC] =	sst s2  }
0x8f: {  	_ = 	snop  }
0x90: {  	s2 =	sld [smem:$0x3FD0];
	(tm) =	ssettm $0x1  }
0x91: {  	s18 =	sld [smem:$0x3FFB];
	_ =	sdelay $0x3  }
0x92: {  	_ =	strace s18  }
0x93: {  	s3 =	sld [smem:$0x3FFC];
	_ =	sdelay $0x3  }
0x94: {  	_ =	strace s3  }
0x95: {  	s3 =	sld [smem:$0x3FFD];
	_ =	sdelay $0x3  }
0x96: {  	_ =	strace s3  }
0x97: {  	_ =	strace $0x8FFFFFFF  }
0x98: {  	s19 =	sld [smem:$0x3FDB];
	_ =	sdelay $0x1  }
0x99: {  	s4 =	simm.s32 $_scs_section_size  }
0x9a: {  	s5 =	simm.s32 $_size__tile_overlayer_lowered;
	s6 =	simm.s32 $_tile_overlayer_lowered  }
0x9b: {  	s22 =	simm.s32 $0x1BFF;
	s21 =	sshll.u32 s6, $0x1;
	s3 =	sadd.s32 s4, s19  }
0x9c: {  	s7 =	simm.s32 $0x0;
	s20 =	sshll.u32 s5, $0x1;
	s5 =	sadd.s32 s21, s3  }
0x9d: {  	[timem:s7], [sflag:s22] =	dma.local [hbm:s5], s20  }
0x9e: {  	_ =	swait.ge [sflag:s22], s20  }
0x9f: {  	s4 =	ssub.s32 $0x0, s20;
	[sflag:s22] =	ssyncset.done $0x0  }
0xa0: {  	[sflag:s22] =	ssyncadd.s32 s4;
	_ =	sdelay $0x1  }
0xa1: {  	s23 =	simm.s32 $0x1B8B  }
0xa2: {  	_ =	swait.ge [sflag:s23], $0x1  }
0xa3: {  	[sflag:s23] =	ssyncset.done $0x0  }
0xa4: {  	s25 =	simm.s32 $0x1B8E;
	s24 =	sld [smem:$0x3FFE];
	[sflag:s23] =	ssyncadd.s32 $0xFFFFFFFF  }
0xa5: {  	s26 =	simm.s32 $execute0_lowered;
	[smem:$0x3FD2] =	sst s25  }
0xa6: {  	s5 =	sshll.u32 s26, $0x1;
	_ =	strace $0x8000004C;
	[dreg:$0x1] =	wrdreg $0xFFFFFFFF  }
0xa7: {  	s28 =	simm.s32 $_size_execute0_lowered;
	s3 =	sadd.s32 s3, s5;
	[dreg:$0x0] =	wrdreg $0x0  }
0xa8: {  	s5 =	sshll.u32 s28, $0x1;
	[dreg:$0x2] =	wrdreg s3  }
0xa9: {  	[dreg:$0x3] =	wrdreg s5  }
0xaa: {  	[dreg:$0x4] =	wrdreg $0xC0  }
0xab: {  	_ =	task [dreg:s7], $0x5FFFF  }
0xac: {  	[dreg:$0x1] =	wrdreg $0xFFFFFFFF  }
0xad: {  	[dreg:$0x0] =	wrdreg $0x60  }
0xae: {  	[dreg:$0x2] =	wrdreg s2  }
0xaf: {  	[dreg:$0x3] =	wrdreg s24  }
0xb0: {  	[dreg:$0x4] =	wrdreg $0x0  }
0xb1: {  	[dreg:$0x5] =	wrdreg $0x9  }
0xb2: {  	_ =	task.clear_ibuf [dreg:s7], $0x6FFFF;
	_ =	strace $0x9000004C  }
0xb3: {  	s29 =	simm.s32 $0x9;
	_ =	strace $0x8000004E  }
0xb4: {  	_ =	swait.ge [sflag:s29], $0x1  }
0xb5: {  	[sflag:s29] =	ssyncadd.s32 $0xFFFFFFFF  }
0xb6: {  	_ =	strace $0x9000004E  }
0xb7: {  	_ =	sfence  }
0xb8: {  	s30 =	sld [smem:$0x0];
	_ =	sdelay $0x2  }
0xb9: {  	s31 =	sshll.u32 s1, $0xD;
	s1 =	sshrl.u32 s1, $0x2  }
0xba: {  	s3 =	sand.u32 $0x4000, s31;
	s1 =	sadd.s32 s1, s30  }
0xbb: {  	s0 =	sor.u32 s3, s0;
	s1 =	sshll.u32 s1, $0x11  }
0xbc: {  	s0 =	sor.u32 s1, s0  }
0xbd: {  	s0 =	sadd.s32 $0x8F2B, s0  }
0xbe: {  	[sflag:s0] =	ssyncadd.remote.s32 $0x1  }
0xbf: {  	_ =	sfence.sel $0xFFFF  }
0xc0: {  	[dreg:$0x0] =	wrdreg $0xFFFFFFFF;
	(pc) =	sbr.abs _section_cstart, $3  }
0xc1: {  	[dreg:$0x1] =	wrdreg $0xFFFFFFFF  }
0xc2: {  	_ =	task.clear_ibuf [dreg:s7], $0x2FFFF;
	_ =	strace $0x9FFFFFFF  }
0xc3: {  	(tm) =	ssettm $0x7FFFFFFF  }
tec
execute0_lowered:
.L_overlay_start_1:
0x0: {  	(tag) =	ssettag $0x1  }
0x1: {  	s0 =	rddreg [dreg:$0x0]  }
0x2: {  	s1 =	srdreg.scid;
	s2 =	rddreg [dreg:$0x1]  }
0x3: {  	s3 =	rddreg [dreg:$0x2];
	s10 =	stileid.u32;
	s4 =	simm.s32 $0x0  }
0x4: {  	s31 =	simm.s32 $0x80;
	s1 =	sand.u32 $0x1, s1;
	s8 =	smul.u32 $0x50000, s10  }
0x5: {  	[smem:$0x7FF] =	sst s4;
	s9 =	sadd.s32 $0x24A00, s2;
	s22 =	smul.u32 $0x280, s10  }
0x6: {  	s5 =	sshll.u32 s1, $0x4;
	_ =	strace $0x8000004D;
	s7 =	ssub.s32 $0x2, s1  }
0x7: {  	[dreg:$0x4] =	wrdreg s9;
	s1 =	smul.u32 $0x2800, s1;
	s5 =	sor.u32 s10, s5  }
0x8: {  	s20 =	sshrl.u32 s7, $0x1;
	s21 =	sshrl.u32 s8, $0x2;
	s17 =	sadd.s32 $0x80, s22  }
0x9: {  	s19 =	sadd.s32 $0x100, s22;
	s6 =	smul.u32 $0x500, s5;
	s5 =	sadd.s32 $0x77200, s2  }
0xa: {  	s11 =	ssub.s32 s7, s20;
	s7 =	sadd.s32 s21, s3;
	s24 =	sadd.s32 s1, s22  }
0xb: {  	s25 =	sadd.s32 s1, s17;
	s17 =	sshll.u32 s17, $0x7;
	s26 =	sadd.s32 s1, s19  }
0xc: {  	s19 =	sshll.u32 s19, $0x7;
	s11 =	smax.u32 s11, $0x1;
	s12 =	sadd.s32 $0x4000, s7  }
0xd: {  	s13 =	sadd.s32 $0x8000, s7;
	s14 =	sadd.s32 $0xC000, s7;
	s15 =	sadd.s32 $0x10000, s7  }
0xe: {  	s17 =	sadd.s32 s17, s3;
	s19 =	sadd.s32 s19, s3;
	s6 =	sadd.s32 s6, s2  }
0xf: {  	s2 =	sadd.s32 $0x25200, s2;
	s23 =	sadd.s32 $0x10A00, s6;
	s9 =	sadd.s32 $0x6A00, s6  }
0x10: {  	s10 =	sadd.s32 $0x1AA00, s6;
	s6 =	sshll.u32 s24, $0x4;
	[dreg:$0x5] =	wrdreg s23  }
0x11: {  	s16 =	sadd.s32 s2, s6;
	s6 =	sshll.u32 s25, $0x4;
	s23 =	sadd.s32 $0x180, s22  }
0x12: {  	s22 =	sadd.s32 $0x200, s22;
	s25 =	simm.s32 $0x1B800;
	s18 =	sadd.s32 s2, s6  }
0x13: {  	s6 =	sshll.u32 s26, $0x4;
	s28 =	sshll.u32 s23, $0x7;
	s29 =	sadd.s32 s1, s23  }
0x14: {  	s1 =	sadd.s32 s1, s22;
	s30 =	sshll.u32 s22, $0x7;
	s26 =	simm.s32 $0x2  }
0x15: {  	s20 =	sadd.s32 s2, s6;
	s21 =	sadd.s32 s28, s3;
	s6 =	sshll.u32 s29, $0x4  }
0x16: {  	s23 =	sadd.s32 s30, s3;
	s1 =	sshll.u32 s1, $0x4;
	s22 =	sadd.s32 s2, s6  }
0x17: {  	s24 =	sadd.s32 s2, s1;
	s1 =	simm.s32 $0x1;
	s2 =	simm.s32 $0x0  }
.LBB2_1:
0x18: {  	s6 =	rddreg [dreg:$0x4]  }
0x19: {  	[tilespmem:s25], [sflag:$0x2] =	stream.linear.gather [hbm4b:s6+s4], $0x4000, $0x38;
	[tilespmem:$0x1F800] =	vst v63  }
0x1a: {  	_ =	swait.ge [sflag:s26], $0x4000  }
0x1b: {  	[sflag:s26] =	ssyncset.done $0x0  }
0x1c: {  	[sflag:s26] =	ssyncadd.s32 $0xFFFFC000  }
0x1d: {  	[spmem:s7] =	stream.linear.scatter [tilespmem:s25], [sflag:$0x2], $0x4000, $0x38;
	[tilespmem:$0x1F800] =	vst v63  }
0x1e: {  	_ =	swait.ge [sflag:s26], $0x4000  }
0x1f: {  	[sflag:s26] =	ssyncset.done $0x0  }
0x20: {  	[sflag:s26] =	ssyncadd.s32 $0xFFFFC000  }
0x21: {  	[spmem:s12] =	stream.linear.scatter [tilespmem:s25], [sflag:$0x2], $0x4000, $0x38;
	[tilespmem:$0x1F800] =	vst v63  }
0x22: {  	_ =	swait.ge [sflag:s26], $0x4000  }
0x23: {  	[sflag:s26] =	ssyncset.done $0x0  }
0x24: {  	[sflag:s26] =	ssyncadd.s32 $0xFFFFC000  }
0x25: {  	[spmem:s13] =	stream.linear.scatter [tilespmem:s25], [sflag:$0x2], $0x4000, $0x38;
	[tilespmem:$0x1F800] =	vst v63  }
0x26: {  	_ =	swait.ge [sflag:s26], $0x4000  }
0x27: {  	[sflag:s26] =	ssyncset.done $0x0  }
0x28: {  	[sflag:s26] =	ssyncadd.s32 $0xFFFFC000  }
0x29: {  	[spmem:s14] =	stream.linear.scatter [tilespmem:s25], [sflag:$0x2], $0x4000, $0x38;
	[tilespmem:$0x1F800] =	vst v63  }
0x2a: {  	_ =	swait.ge [sflag:s26], $0x4000  }
0x2b: {  	[sflag:s26] =	ssyncset.done $0x0  }
0x2c: {  	[sflag:s26] =	ssyncadd.s32 $0xFFFFC000  }
0x2d: {  	[spmem:s15] =	stream.linear.scatter [tilespmem:s25], [sflag:$0x2], $0x4000, $0x38;
	[tilespmem:$0x1F800] =	vst v63  }
0x2e: {  	_ =	swait.ge [sflag:s26], $0x4000  }
0x2f: {  	[sflag:s26] =	ssyncset.done $0x0  }
0x30: {  	s8 =	simm.s32 $0x14000;
	s30 =	rddreg [dreg:$0x5];
	[sflag:s26] =	ssyncadd.s32 $0xFFFFC000  }
0x31: {  	[tilespmem:s8], [sflag:$0x2] =	stream.linear.gather [hbm4b:s30+s4], $0x2800, $0x38;
	[tilespmem:$0x1F800] =	vst v63  }
0x32: {  	_ =	swait.ge [sflag:s26], $0x2800  }
0x33: {  	[sflag:s26] =	ssyncset.done $0x0  }
0x34: {  	s29 =	simm.s32 $0x16800;
	[sflag:s26] =	ssyncadd.s32 $0xFFFFD800  }
0x35: {  	[tilespmem:s29], [sflag:$0x2] =	stream.linear.gather [hbm4b:s9+s4], $0x2800, $0x38;
	[tilespmem:$0x1F800] =	vst v63  }
0x36: {  	_ =	swait.ge [sflag:s26], $0x2800  }
0x37: {  	[sflag:s26] =	ssyncset.done $0x0  }
0x38: {  	s30 =	simm.s32 $0x19000;
	[sflag:s26] =	ssyncadd.s32 $0xFFFFD800  }
0x39: {  	[tilespmem:s30], [sflag:$0x2] =	stream.linear.gather [hbm4b:s10+s4], $0x2800, $0x38;
	[tilespmem:$0x1F800] =	vst v63  }
0x3a: {  	_ =	swait.ge [sflag:s26], $0x2800  }
0x3b: {  	[sflag:s26] =	ssyncset.done $0x0  }
0x3c: {  	[sflag:s26] =	ssyncadd.s32 $0xFFFFD800  }
0x3d: {  	s28 =	simm.s32 $0x0;
	[bflag:$0x0] =	sbarrier.arrive $0xFFFF  }
.LBB2_2:
0x3e: {  	s29 =	sshll.u32 s28, $0x7  }
0x3f: {  	s6 =	sadd.s32 $0x16800, s29  }
0x40: {  	[tilespmem:s25], [sflag:$0x1] =	stream.indirect.gather [hbm4b:s5+s31], $0x80, s6, s31, $0xb8;
	[tilespmem:$0x1F800] =	vst v63  }
0x41: {  	_ =	swait.ge [sflag:s1], $0x4000  }
0x42: {  	[sflag:s1] =	ssyncset.done $0x0  }
0x43: {  	s8 =	sadd.s32 $0x14000, s29;
	[sflag:s1] =	ssyncadd.s32 $0xFFFFC000  }
0x44: {  	[tilespmem:s25], [sflag:$0x1] =	stream.indirect.gather.add.f32 [hbm:s0], $0x80, s8, s31, $0xb8;
	[tilespmem:$0x1F800] =	vst v63  }
0x45: {  	_ =	swait.ge [sflag:s1], $0x4000  }
0x46: {  	[sflag:s1] =	ssyncset.done $0x0  }
0x47: {  	s30 =	simm.s32 $0x0;
	[sflag:s1] =	ssyncadd.s32 $0xFFFFC000  }
0x48: {  	v2 =	vld [tilespmem:s30+$0x1B800]  }
0x49: {  	v4 =	vld [tilespmem:s30+$0x1B810]  }
0x4a: {  	v3 =	vld [tilespmem:s30+$0x1B820]  }
0x4b: {  	v1 =	vld [tilespmem:s30+$0x1B830]  }
0x4c: {  	v0 =	vld [tilespmem:s30+$0x1B840]  }
0x4d: {  	v5 =	vmax.f32 v2, $0.0e+00;
	v2 =	vld [tilespmem:s30+$0x1B850]  }
0x4e: {  	s6 =	simm.s32 $0x200;
	[tilespmem:s30+$0x1B800] =	vst v5;
	v5 =	vmax.f32 v4, $0.0e+00;
	v4 =	vld [tilespmem:s30+$0x1B860]  }
.LBB2_3:
0x4f: {  	s8 =	sshra.s32 s6, $0x2;
	p0 =	sne.s32 s6, $0xFE00;
	[tilespmem:s30+$0x1B810] =	vst v5;
	v3 =	vmax.f32 v3, $0.0e+00;
	v5 =	vld [tilespmem:s30+$0x1B870]  }
0x50: {  	v6 =	vld [tilespmem:s8+$0x1B800];
	[tilespmem:s30+$0x1B820] =	vst v3;
	v1 =	vmax.f32 v1, $0.0e+00  }
0x51: {  	v7 =	vld [tilespmem:s8+$0x1B810];
	[tilespmem:s30+$0x1B830] =	vst v1;
	v0 =	vmax.f32 v0, $0.0e+00  }
.Ltmp0:
0x52: {  	v3 =	vld [tilespmem:s8+$0x1B820];
	[tilespmem:s30+$0x1B840] =	vst v0;
	v0 =	vmax.f32 v2, $0.0e+00;
	(pc) =	sbr.rel @p0 .LBB2_3-.Ltmp0, $4  }
0x53: {  	v1 =	vld [tilespmem:s8+$0x1B830];
	[tilespmem:s30+$0x1B850] =	vst v0;
	v2 =	vmax.f32 v4, $0.0e+00  }
0x54: {  	v0 =	vld [tilespmem:s8+$0x1B840];
	[tilespmem:s30+$0x1B860] =	vst v2;
	v4 =	vmax.f32 v5, $0.0e+00  }
0x55: {  	v5 =	vmax.f32 v6, $0.0e+00;
	v2 =	vld [tilespmem:s8+$0x1B850];
	[tilespmem:s30+$0x1B870] =	vst v4;
	s30 =	smov.u32 s8  }
0x56: {  	s6 =	sadd.s32 $0x200, s6;
	[tilespmem:s30+$0x1B800] =	vst v5;
	v5 =	vmax.f32 v7, $0.0e+00;
	v4 =	vld [tilespmem:s30+$0x1B860]  }
0x57: {  	[tilespmem:s30+$0x1B810] =	vst v5;
	v3 =	vmax.f32 v3, $0.0e+00;
	v60 =	vld [tilespmem:s30+$0x1B870]  }
0x58: {  	[tilespmem:s30+$0x1B820] =	vst v3;
	v1 =	vmax.f32 v1, $0.0e+00  }
0x59: {  	[tilespmem:s30+$0x1B830] =	vst v1;
	v0 =	vmax.f32 v0, $0.0e+00  }
0x5a: {  	[tilespmem:s30+$0x1B840] =	vst v0;
	v61 =	vmax.f32 v2, $0.0e+00  }
0x5b: {  	s28 =	sadd.s32 $0x1, s28;
	[tilespmem:s30+$0x1B850] =	vst v61;
	v62 =	vmax.f32 v4, $0.0e+00  }
0x5c: {  	p0 =	sne.s32 s28, $0x50;
	[tilespmem:s30+$0x1B860] =	vst v62;
	v63 =	vmax.f32 v60, $0.0e+00  }
.Ltmp1:
0x5d: {  	s6 =	sadd.s32 $0x19000, s29;
	[tilespmem:s30+$0x1B870] =	vst v63;
	(pc) =	sbr.rel @p0 .LBB2_2-.Ltmp1, $4  }
0x5e: {  	[spmem:s3] =	stream.indirect.scatter.add.f32 [tilespmem:s25], [sflag:$0x2], $0x80, s6, s31, $0xb8;
	[tilespmem:$0x1F800] =	vst v63  }
0x5f: {  	_ =	swait.ge [sflag:s26], $0x4000  }
0x60: {  	[sflag:s26] =	ssyncset.done $0x0  }
0x61: {  	[sflag:s26] =	ssyncadd.s32 $0xFFFFC000  }
0x62: {  	[bflag:$0x0] =	sbarrier.arrive $0xFFFF  }
0x63: {  	[tilespmem:s25], [sflag:$0x2] =	stream.linear.gather [spmem:s7], $0x4000, $0x38;
	[tilespmem:$0x1F800] =	vst v63  }
0x64: {  	_ =	swait.ge [sflag:s26], $0x4000  }
0x65: {  	[sflag:s26] =	ssyncset.done $0x0  }
0x66: {  	[sflag:s26] =	ssyncadd.s32 $0xFFFFC000  }
0x67: {  	[hbm4b:s16+s4] =	stream.linear.scatter [tilespmem:s25], [sflag:$0x2], $0x4000, $0x38;
	[tilespmem:$0x1F800] =	vst v63  }
0x68: {  	_ =	swait.ge [sflag:s26], $0x4000  }
0x69: {  	[sflag:s26] =	ssyncset.done $0x0  }
0x6a: {  	[sflag:s26] =	ssyncadd.s32 $0xFFFFC000  }
0x6b: {  	[tilespmem:s25], [sflag:$0x2] =	stream.linear.gather [spmem:s17], $0x4000, $0x38;
	[tilespmem:$0x1F800] =	vst v63  }
0x6c: {  	_ =	swait.ge [sflag:s26], $0x4000  }
0x6d: {  	[sflag:s26] =	ssyncset.done $0x0  }
0x6e: {  	[sflag:s26] =	ssyncadd.s32 $0xFFFFC000  }
0x6f: {  	[hbm4b:s18+s4] =	stream.linear.scatter [tilespmem:s25], [sflag:$0x2], $0x4000, $0x38;
	[tilespmem:$0x1F800] =	vst v63  }
0x70: {  	_ =	swait.ge [sflag:s26], $0x4000  }
0x71: {  	[sflag:s26] =	ssyncset.done $0x0  }
0x72: {  	[sflag:s26] =	ssyncadd.s32 $0xFFFFC000  }
0x73: {  	[tilespmem:s25], [sflag:$0x2] =	stream.linear.gather [spmem:s19], $0x4000, $0x38;
	[tilespmem:$0x1F800] =	vst v63  }
0x74: {  	_ =	swait.ge [sflag:s26], $0x4000  }
0x75: {  	[sflag:s26] =	ssyncset.done $0x0  }
0x76: {  	[sflag:s26] =	ssyncadd.s32 $0xFFFFC000  }
0x77: {  	[hbm4b:s20+s4] =	stream.linear.scatter [tilespmem:s25], [sflag:$0x2], $0x4000, $0x38;
	[tilespmem:$0x1F800] =	vst v63  }
0x78: {  	_ =	swait.ge [sflag:s26], $0x4000  }
0x79: {  	[sflag:s26] =	ssyncset.done $0x0  }
0x7a: {  	[sflag:s26] =	ssyncadd.s32 $0xFFFFC000  }
0x7b: {  	[tilespmem:s25], [sflag:$0x2] =	stream.linear.gather [spmem:s21], $0x4000, $0x38;
	[tilespmem:$0x1F800] =	vst v63  }
0x7c: {  	_ =	swait.ge [sflag:s26], $0x4000  }
0x7d: {  	[sflag:s26] =	ssyncset.done $0x0  }
0x7e: {  	[sflag:s26] =	ssyncadd.s32 $0xFFFFC000  }
0x7f: {  	[hbm4b:s22+s4] =	stream.linear.scatter [tilespmem:s25], [sflag:$0x2], $0x4000, $0x38;
	[tilespmem:$0x1F800] =	vst v63  }
0x80: {  	_ =	swait.ge [sflag:s26], $0x4000  }
0x81: {  	[sflag:s26] =	ssyncset.done $0x0  }
0x82: {  	[sflag:s26] =	ssyncadd.s32 $0xFFFFC000  }
0x83: {  	[tilespmem:s25], [sflag:$0x2] =	stream.linear.gather [spmem:s23], $0x4000, $0x38;
	[tilespmem:$0x1F800] =	vst v63  }
0x84: {  	s2 =	sadd.s32 $0x1, s2;
	_ =	swait.ge [sflag:s26], $0x4000  }
0x85: {  	p0 =	sne.s32 s2, s11;
	[sflag:s26] =	ssyncset.done $0x0  }
.Ltmp2:
0x86: {  	[sflag:s26] =	ssyncadd.s32 $0xFFFFC000;
	(pc) =	sbr.rel @p0 .LBB2_1-.Ltmp2, $4  }
0x87: {  	[hbm4b:s24+s4] =	stream.linear.scatter [tilespmem:s25], [sflag:$0x2], $0x4000, $0x38;
	[tilespmem:$0x1F800] =	vst v63  }
0x88: {  	_ =	swait.ge [sflag:s26], $0x4000  }
0x89: {  	[sflag:s26] =	ssyncset.done $0x0  }
0x8a: {  	[sflag:s26] =	ssyncadd.s32 $0xFFFFC000  }
0x8b: {  	_ =	sfence.sel $0x180000  }
0x8c: {  	[bflag:$0x0] =	sbarrier.arrive $0xFFFF  }
0x8d: {  	_ =	strace $0x9000004D  }
0x8e: {  	s0 =	stileid.u32;
	[bflag:$0x2] =	sbarrier.arrive $0xFFFF  }
0x8f: {  	p0 =	sne.s32 s0, $0x0;
	s0 =	rddreg [dreg:$0x3]  }
0x90: {  	s0 =	sadd.s32 @!p0 $0x100000, s0  }
0x91: {  	[sflag:s0] =	ssyncadd.tile.s32 @!p0 $0x1;
	_ =	shalt  }
.Lfunc_end2:
_tile_overlayer_lowered:
.L_overlay_start_2:
0x92: {  	(tag) =	ssettag $0x2  }
0x93: {  	s0 =	rddreg [dreg:$0x0];
	s2 =	stileid.u32  }
0x94: {  	s1 =	rddreg [dreg:$0x1];
	p0 =	sne.s32 s2, $0x0  }
0x95: {  	s3 =	rddreg [dreg:$0x2];
	[bflag:$0x3] =	sbarrier.arrive $0xFFFF;
	s2 =	simm.s32 @!p0 $0x1C02  }
0x96: {  	[timem:s3], [sflag:s2] =	dma.local @!p0 [hbm:s0], s1  }
0x97: {  	s0 =	simm.s32 @!p0 $0x2  }
0x98: {  	_ =	swait.ge @!p0 [sflag:s0], s1  }
0x99: {  	s1 =	ssub.s32 @!p0 $0x0, s1;
	[sflag:s0] =	ssyncset.done @!p0 $0x0  }
0x9a: {  	[sflag:s0] =	ssyncadd.s32 @!p0 s1  }
0x9b: {  	[bflag:$0x3] =	sbarrier.arrive $0xFFFF  }
0x9c: {  	_ =	shalt  }

// kernel: kernel.9.cloned.1.call-start
scs
__scs_entry_jumppad:
0x0: {  	(pc) =	sbr.rel $0x88, $3  }
0x1: {  	(tag) =	ssettag $0x0;
	lr =	simm.s32 $0x1  }
0x2: {  	[smem:$0x3F95] =	sst lr;
	_ =	strace $0xD0000000  }
0x3: {  	_ = 	snop  }
0x4: {  	_ = 	snop  }
0x5: {  	_ = 	snop  }
0x6: {  	_ = 	snop  }
0x7: {  	_ = 	snop  }
__scs_overlays_trampoline_lowered:
0x8: {  	[smem:$0x3FA4] =	sst s0  }
0x9: {  	[smem:$0x3FA5] =	sst s1  }
0xa: {  	[smem:$0x3FA6] =	sst s2  }
0xb: {  	[smem:$0x3FA7] =	sst s3  }
0xc: {  	[smem:$0x3FA8] =	sst s4  }
0xd: {  	[smem:$0x3FA9] =	sst s5  }
0xe: {  	[smem:$0x3FAA] =	sst s6  }
0xf: {  	[smem:$0x3FAB] =	sst s7  }
0x10: {  	[smem:$0x3FAC] =	sst s8  }
0x11: {  	[smem:$0x3FAD] =	sst s9;
	s0 =	simm.s32 @!p0 $0x0  }
0x12: {  	s1 =	sld [smem:$0x3F93];
	s0 =	simm.s32 @p0 $0x1  }
0x13: {  	[smem:$0x3FAE] =	sst s0;
	s0 =	simm.s32 @!p1 $0x0  }
0x14: {  	s2 =	sld [smem:$0x3F92];
	s0 =	simm.s32 @p1 $0x1  }
0x15: {  	[smem:$0x3FAF] =	sst s0;
	s0 =	simm.s32 @!p2 $0x0  }
0x16: {  	s3 =	sld [smem:$0x3FDB];
	s0 =	simm.s32 @p2 $0x1  }
0x17: {  	s4 =	simm.s32 $0x1BF5;
	[smem:$0x3FB1] =	sst s0  }
0x18: {  	s0 =	sld [smem:$0x3F94];
	_ =	swait.ge [sflag:s4], $0x0  }
0x19: {  	s7 =	sld [smem:$0x3F95]  }
0x1a: {  	s8 =	sadd.s32 $0xFFFFE003, lr  }
0x1b: {  	s9 =	sadd.s32 $0xFFFFFEF7, lr;
	s5 =	simm.s32 $0xFFFFFFFF;
	p2 =	slt.u32 s8, $0xFFFFF086  }
0x1c: {  	p1 =	slt.u32 s9, $0xF7A;
	s5 =	simm.s32 @!p2 $0x0  }
0x1d: {  	s5 =	simm.s32 @p1 $0x1;
	p0 =	seq.s32 s7, s2  }
0x1e: {  	s7 =	smul.u32 @!p0 $0xF7A, s2;
	p2 =	seq.s32 @!p0 s5, $0x0  }
0x1f: {  	s9 =	smul.u32 $0xF7A, s1;
	s8 =	simm.s32 @!p0 $0x1BF5;
	p2 =	por !p2, p0  }
0x20: {  	[sflag:s8] =	ssyncset.s32 @!p0 $0xFFFFF086;
	s6 =	sadd.s32 @!p0 s3, s7;
	s7 =	simm.s32 @!p0 $0x108  }
0x21: {  	s3 =	sadd.s32 s3, s9;
	s6 =	sadd.s32 @!p0 $0x88, s6;
	s7 =	simm.s32 @p2 $0x1082  }
0x22: {  	[simem:s7], [sflag:s8] =	dma.local @!p0 [hbm:s6], $0xF7A  }
0x23: {  	s9 =	sor.u32 $0xD0000000, s2;
	s6 =	simm.s32 $0x108;
	_ =	swait.ge @!p0 [sflag:s8], $0x0  }
0x24: {  	s3 =	sadd.s32 $0x88, s3;
	s6 =	simm.s32 @!p1 $0x1082;
	[sflag:s4] =	ssyncset.s32 $0xFFFFF086  }
0x25: {  	[simem:s6], [sflag:s4] =	dma.local [hbm:s3], $0xF7A  }
0x26: {  	[smem:$0x3F95] =	sst s1;
	(tag) =	ssettag s2;
	_ =	strace s9  }
0x27: {  	s1 =	sld [smem:$0x3FA5]  }
0x28: {  	s2 =	sld [smem:$0x3FA6]  }
0x29: {  	s4 =	sld [smem:$0x3FA8]  }
0x2a: {  	p0 =	seq.s32 s5, $0x0;
	s5 =	sld [smem:$0x3FA9]  }
0x2b: {  	s6 =	sld [smem:$0x3FAA]  }
0x2c: {  	s7 =	sld [smem:$0x3FAB]  }
0x2d: {  	s3 =	simm.s32 $0x108;
	s8 =	sld [smem:$0x3FAC]  }
0x2e: {  	s3 =	simm.s32 @!p0 $0x1082;
	s9 =	sld [smem:$0x3FAD]  }
0x2f: {  	lr =	sadd.s32 s0, s3;
	s0 =	sld [smem:$0x3FA4]  }
0x30: {  	s3 =	sld [smem:$0x3FA7]  }
0x31: {  	[smem:$0x3FB0] =	sst s10  }
0x32: {  	s10 =	sld [smem:$0x3FAE];
	_ =	sdelay $0x3  }
0x33: {  	p0 =	seq.s32 s10, $0x1;
	s10 =	sld [smem:$0x3FB0];
	_ =	sdelay $0x3  }
0x34: {  	[smem:$0x3FB0] =	sst s10  }
0x35: {  	s10 =	sld [smem:$0x3FAF];
	_ =	sdelay $0x3  }
0x36: {  	p1 =	seq.s32 s10, $0x1;
	s10 =	sld [smem:$0x3FB0];
	_ =	sdelay $0x3  }
0x37: {  	[smem:$0x3FB0] =	sst s10  }
0x38: {  	s10 =	sld [smem:$0x3FB1]  }
0x39: {  	_ = 	snop;
	(pc) =	sbr.ind lr, $3  }
0x3a: {  	_ = 	snop  }
0x3b: {  	_ = 	snop  }
0x3c: {  	p2 =	seq.s32 s10, $0x1;
	s10 =	sld [smem:$0x3FB0]  }
0x3d: {  	_ =	shalt  }
0x3e: {  	_ =	shalt  }
0x3f: {  	_ =	shalt  }
0x40: {  	_ =	shalt  }
0x41: {  	_ =	shalt  }
0x42: {  	_ =	shalt  }
0x43: {  	_ =	shalt  }
0x44: {  	_ =	shalt  }
0x45: {  	_ =	shalt  }
0x46: {  	_ =	shalt  }
0x47: {  	_ =	shalt  }
0x48: {  	_ =	shalt  }
0x49: {  	_ =	shalt  }
0x4a: {  	_ =	shalt  }
0x4b: {  	_ =	shalt  }
0x4c: {  	_ =	shalt  }
0x4d: {  	_ =	shalt  }
0x4e: {  	_ =	shalt  }
0x4f: {  	_ =	shalt  }
0x50: {  	_ =	shalt  }
0x51: {  	_ =	shalt  }
0x52: {  	_ =	shalt  }
0x53: {  	_ =	shalt  }
0x54: {  	_ =	shalt  }
0x55: {  	_ =	shalt  }
0x56: {  	_ =	shalt  }
0x57: {  	_ =	shalt  }
0x58: {  	_ =	shalt  }
0x59: {  	_ =	shalt  }
0x5a: {  	_ =	shalt  }
0x5b: {  	_ =	shalt  }
0x5c: {  	_ =	shalt  }
0x5d: {  	_ =	shalt  }
0x5e: {  	_ =	shalt  }
0x5f: {  	_ =	shalt  }
0x60: {  	_ =	shalt  }
0x61: {  	_ =	shalt  }
0x62: {  	_ =	shalt  }
0x63: {  	_ =	shalt  }
0x64: {  	_ =	shalt  }
0x65: {  	_ =	shalt  }
0x66: {  	_ =	shalt  }
0x67: {  	_ =	shalt  }
0x68: {  	_ =	shalt  }
0x69: {  	_ =	shalt  }
0x6a: {  	_ =	shalt  }
0x6b: {  	_ =	shalt  }
0x6c: {  	_ =	shalt  }
0x6d: {  	_ =	shalt  }
0x6e: {  	_ =	shalt  }
0x6f: {  	_ =	shalt  }
0x70: {  	_ =	shalt  }
0x71: {  	_ =	shalt  }
0x72: {  	_ =	shalt  }
0x73: {  	_ =	shalt  }
0x74: {  	_ =	shalt  }
0x75: {  	_ =	shalt  }
0x76: {  	_ =	shalt  }
0x77: {  	_ =	shalt  }
0x78: {  	_ =	shalt  }
0x79: {  	_ =	shalt  }
0x7a: {  	_ =	shalt  }
0x7b: {  	_ =	shalt  }
0x7c: {  	_ =	shalt  }
0x7d: {  	_ =	shalt  }
0x7e: {  	_ =	shalt  }
0x7f: {  	_ =	shalt  }
0x80: {  	_ =	shalt  }
0x81: {  	_ =	shalt  }
0x82: {  	_ =	shalt  }
0x83: {  	_ =	shalt  }
0x84: {  	_ =	shalt  }
0x85: {  	_ =	shalt  }
0x86: {  	_ =	shalt  }
0x87: {  	_ =	shalt  }
.Lfunc_end0:
.L_simem_size_0:
called_computation_lowered:
.L_overlay_start_0:
0x88: {  	s2 =	sld [smem:$0x3FD9]  }
0x89: {  	s3 =	sld [smem:$0x3FFE];
	_ =	sdelay $0x1  }
0x8a: {  	s1 =	srdreg.scid  }
0x8b: {  	s0 =	sand.u32 $0x1, s1  }
0x8c: {  	s17 =	sshll.u32 s0, $0xA;
	s2 =	sadd.s32 s3, s2  }
0x8d: {  	s2 =	sadd.s32 s2, s17  }
0x8e: {  	[smem:$0x3FBC] =	sst s2  }
0x8f: {  	_ = 	snop  }
0x90: {  	s2 =	sld [smem:$0x3FD0];
	(tm) =	ssettm $0x1  }
0x91: {  	s18 =	sld [smem:$0x3FFB];
	_ =	sdelay $0x3  }
0x92: {  	_ =	strace s18  }
0x93: {  	s3 =	sld [smem:$0x3FFC];
	_ =	sdelay $0x3  }
0x94: {  	_ =	strace s3  }
0x95: {  	s3 =	sld [smem:$0x3FFD];
	_ =	sdelay $0x3  }
0x96: {  	_ =	strace s3  }
0x97: {  	_ =	strace $0x8FFFFFFF  }
0x98: {  	s19 =	sld [smem:$0x3FDB];
	_ =	sdelay $0x1  }
0x99: {  	s4 =	simm.s32 $_scs_section_size  }
0x9a: {  	s5 =	simm.s32 $_size__tile_overlayer_lowered;
	s6 =	simm.s32 $_tile_overlayer_lowered  }
0x9b: {  	s22 =	simm.s32 $0x1BFF;
	s21 =	sshll.u32 s6, $0x1;
	s3 =	sadd.s32 s4, s19  }
0x9c: {  	s7 =	simm.s32 $0x0;
	s20 =	sshll.u32 s5, $0x1;
	s5 =	sadd.s32 s21, s3  }
0x9d: {  	[timem:s7], [sflag:s22] =	dma.local [hbm:s5], s20  }
0x9e: {  	_ =	swait.ge [sflag:s22], s20  }
0x9f: {  	s4 =	ssub.s32 $0x0, s20;
	[sflag:s22] =	ssyncset.done $0x0  }
0xa0: {  	[sflag:s22] =	ssyncadd.s32 s4;
	_ =	sdelay $0x1  }
0xa1: {  	s23 =	simm.s32 $0x1B8B  }
0xa2: {  	_ =	swait.ge [sflag:s23], $0x1  }
0xa3: {  	[sflag:s23] =	ssyncset.done $0x0  }
0xa4: {  	s25 =	simm.s32 $0x1B8E;
	s24 =	sld [smem:$0x3FFE];
	[sflag:s23] =	ssyncadd.s32 $0xFFFFFFFF  }
0xa5: {  	s26 =	simm.s32 $execute0_lowered;
	[smem:$0x3FD2] =	sst s25  }
0xa6: {  	s5 =	sshll.u32 s26, $0x1;
	_ =	strace $0x80000046;
	[dreg:$0x1] =	wrdreg $0xFFFFFFFF  }
0xa7: {  	s28 =	simm.s32 $_size_execute0_lowered;
	s3 =	sadd.s32 s3, s5;
	[dreg:$0x0] =	wrdreg $0x0  }
0xa8: {  	s5 =	sshll.u32 s28, $0x1;
	[dreg:$0x2] =	wrdreg s3  }
0xa9: {  	[dreg:$0x3] =	wrdreg s5  }
0xaa: {  	[dreg:$0x4] =	wrdreg $0xC0  }
0xab: {  	_ =	task [dreg:s7], $0x5FFFF  }
0xac: {  	[dreg:$0x1] =	wrdreg $0xFFFFFFFF  }
0xad: {  	[dreg:$0x0] =	wrdreg $0x60  }
0xae: {  	[dreg:$0x2] =	wrdreg s2  }
0xaf: {  	[dreg:$0x3] =	wrdreg s24  }
0xb0: {  	[dreg:$0x4] =	wrdreg $0x0  }
0xb1: {  	[dreg:$0x5] =	wrdreg $0x9  }
0xb2: {  	_ =	task.clear_ibuf [dreg:s7], $0x6FFFF;
	_ =	strace $0x90000046  }
0xb3: {  	s29 =	simm.s32 $0x9;
	_ =	strace $0x80000048  }
0xb4: {  	_ =	swait.ge [sflag:s29], $0x1  }
0xb5: {  	[sflag:s29] =	ssyncadd.s32 $0xFFFFFFFF  }
0xb6: {  	_ =	strace $0x90000048  }
0xb7: {  	_ =	sfence  }
0xb8: {  	s30 =	sld [smem:$0x0];
	_ =	sdelay $0x2  }
0xb9: {  	s31 =	sshll.u32 s1, $0xD;
	s1 =	sshrl.u32 s1, $0x2  }
0xba: {  	s3 =	sand.u32 $0x4000, s31;
	s1 =	sadd.s32 s1, s30  }
0xbb: {  	s0 =	sor.u32 s3, s0;
	s1 =	sshll.u32 s1, $0x11  }
0xbc: {  	s0 =	sor.u32 s1, s0  }
0xbd: {  	s0 =	sadd.s32 $0x8F2B, s0  }
0xbe: {  	[sflag:s0] =	ssyncadd.remote.s32 $0x1  }
0xbf: {  	_ =	sfence.sel $0xFFFF  }
0xc0: {  	[dreg:$0x0] =	wrdreg $0xFFFFFFFF;
	(pc) =	sbr.abs _section_cstart, $3  }
0xc1: {  	[dreg:$0x1] =	wrdreg $0xFFFFFFFF  }
0xc2: {  	_ =	task.clear_ibuf [dreg:s7], $0x2FFFF;
	_ =	strace $0x9FFFFFFF  }
0xc3: {  	(tm) =	ssettm $0x7FFFFFFF  }
tec
execute0_lowered:
.L_overlay_start_1:
0x0: {  	(tag) =	ssettag $0x1  }
0x1: {  	s0 =	rddreg [dreg:$0x0]  }
0x2: {  	s1 =	srdreg.scid;
	s2 =	rddreg [dreg:$0x1]  }
0x3: {  	s3 =	rddreg [dreg:$0x2];
	s10 =	stileid.u32;
	s4 =	simm.s32 $0x0  }
0x4: {  	s31 =	simm.s32 $0x80;
	s1 =	sand.u32 $0x1, s1;
	s8 =	smul.u32 $0x50000, s10  }
0x5: {  	[smem:$0x7FF] =	sst s4;
	s9 =	sadd.s32 $0x24A00, s2;
	s22 =	smul.u32 $0x280, s10  }
0x6: {  	s5 =	sshll.u32 s1, $0x4;
	_ =	strace $0x80000047;
	s7 =	ssub.s32 $0x2, s1  }
0x7: {  	[dreg:$0x4] =	wrdreg s9;
	s1 =	smul.u32 $0x2800, s1;
	s5 =	sor.u32 s10, s5  }
0x8: {  	s20 =	sshrl.u32 s7, $0x1;
	s21 =	sshrl.u32 s8, $0x2;
	s17 =	sadd.s32 $0x80, s22  }
0x9: {  	s19 =	sadd.s32 $0x100, s22;
	s6 =	smul.u32 $0x500, s5;
	s5 =	sadd.s32 $0x4A00, s2  }
0xa: {  	s11 =	ssub.s32 s7, s20;
	s7 =	sadd.s32 s21, s3;
	s24 =	sadd.s32 s1, s22  }
0xb: {  	s25 =	sadd.s32 s1, s17;
	s17 =	sshll.u32 s17, $0x7;
	s26 =	sadd.s32 s1, s19  }
0xc: {  	s19 =	sshll.u32 s19, $0x7;
	s11 =	smax.u32 s11, $0x1;
	s12 =	sadd.s32 $0x4000, s7  }
0xd: {  	s13 =	sadd.s32 $0x8000, s7;
	s14 =	sadd.s32 $0xC000, s7;
	s15 =	sadd.s32 $0x10000, s7  }
0xe: {  	s17 =	sadd.s32 s17, s3;
	s19 =	sadd.s32 s19, s3;
	s6 =	sadd.s32 s6, s2  }
0xf: {  	s2 =	sadd.s32 $0x25200, s2;
	s23 =	sadd.s32 $0x10A00, s6;
	s9 =	sadd.s32 $0x6A00, s6  }
0x10: {  	s10 =	sadd.s32 $0x1AA00, s6;
	s6 =	sshll.u32 s24, $0x4;
	[dreg:$0x5] =	wrdreg s23  }
0x11: {  	s16 =	sadd.s32 s2, s6;
	s6 =	sshll.u32 s25, $0x4;
	s23 =	sadd.s32 $0x180, s22  }
0x12: {  	s22 =	sadd.s32 $0x200, s22;
	s25 =	simm.s32 $0x1B800;
	s18 =	sadd.s32 s2, s6  }
0x13: {  	s6 =	sshll.u32 s26, $0x4;
	s28 =	sshll.u32 s23, $0x7;
	s29 =	sadd.s32 s1, s23  }
0x14: {  	s1 =	sadd.s32 s1, s22;
	s30 =	sshll.u32 s22, $0x7;
	s26 =	simm.s32 $0x2  }
0x15: {  	s20 =	sadd.s32 s2, s6;
	s21 =	sadd.s32 s28, s3;
	s6 =	sshll.u32 s29, $0x4  }
0x16: {  	s23 =	sadd.s32 s30, s3;
	s1 =	sshll.u32 s1, $0x4;
	s22 =	sadd.s32 s2, s6  }
0x17: {  	s24 =	sadd.s32 s2, s1;
	s1 =	simm.s32 $0x1;
	s2 =	simm.s32 $0x0  }
.LBB2_1:
0x18: {  	s6 =	rddreg [dreg:$0x4]  }
0x19: {  	[tilespmem:s25], [sflag:$0x2] =	stream.linear.gather [hbm4b:s6+s4], $0x4000, $0x38;
	[tilespmem:$0x1F800] =	vst v63  }
0x1a: {  	_ =	swait.ge [sflag:s26], $0x4000  }
0x1b: {  	[sflag:s26] =	ssyncset.done $0x0  }
0x1c: {  	[sflag:s26] =	ssyncadd.s32 $0xFFFFC000  }
0x1d: {  	[spmem:s7] =	stream.linear.scatter [tilespmem:s25], [sflag:$0x2], $0x4000, $0x38;
	[tilespmem:$0x1F800] =	vst v63  }
0x1e: {  	_ =	swait.ge [sflag:s26], $0x4000  }
0x1f: {  	[sflag:s26] =	ssyncset.done $0x0  }
0x20: {  	[sflag:s26] =	ssyncadd.s32 $0xFFFFC000  }
0x21: {  	[spmem:s12] =	stream.linear.scatter [tilespmem:s25], [sflag:$0x2], $0x4000, $0x38;
	[tilespmem:$0x1F800] =	vst v63  }
0x22: {  	_ =	swait.ge [sflag:s26], $0x4000  }
0x23: {  	[sflag:s26] =	ssyncset.done $0x0  }
0x24: {  	[sflag:s26] =	ssyncadd.s32 $0xFFFFC000  }
0x25: {  	[spmem:s13] =	stream.linear.scatter [tilespmem:s25], [sflag:$0x2], $0x4000, $0x38;
	[tilespmem:$0x1F800] =	vst v63  }
0x26: {  	_ =	swait.ge [sflag:s26], $0x4000  }
0x27: {  	[sflag:s26] =	ssyncset.done $0x0  }
0x28: {  	[sflag:s26] =	ssyncadd.s32 $0xFFFFC000  }
0x29: {  	[spmem:s14] =	stream.linear.scatter [tilespmem:s25], [sflag:$0x2], $0x4000, $0x38;
	[tilespmem:$0x1F800] =	vst v63  }
0x2a: {  	_ =	swait.ge [sflag:s26], $0x4000  }
0x2b: {  	[sflag:s26] =	ssyncset.done $0x0  }
0x2c: {  	[sflag:s26] =	ssyncadd.s32 $0xFFFFC000  }
0x2d: {  	[spmem:s15] =	stream.linear.scatter [tilespmem:s25], [sflag:$0x2], $0x4000, $0x38;
	[tilespmem:$0x1F800] =	vst v63  }
0x2e: {  	_ =	swait.ge [sflag:s26], $0x4000  }
0x2f: {  	[sflag:s26] =	ssyncset.done $0x0  }
0x30: {  	s8 =	simm.s32 $0x14000;
	s30 =	rddreg [dreg:$0x5];
	[sflag:s26] =	ssyncadd.s32 $0xFFFFC000  }
0x31: {  	[tilespmem:s8], [sflag:$0x2] =	stream.linear.gather [hbm4b:s30+s4], $0x2800, $0x38;
	[tilespmem:$0x1F800] =	vst v63  }
0x32: {  	_ =	swait.ge [sflag:s26], $0x2800  }
0x33: {  	[sflag:s26] =	ssyncset.done $0x0  }
0x34: {  	s29 =	simm.s32 $0x16800;
	[sflag:s26] =	ssyncadd.s32 $0xFFFFD800  }
0x35: {  	[tilespmem:s29], [sflag:$0x2] =	stream.linear.gather [hbm4b:s9+s4], $0x2800, $0x38;
	[tilespmem:$0x1F800] =	vst v63  }
0x36: {  	_ =	swait.ge [sflag:s26], $0x2800  }
0x37: {  	[sflag:s26] =	ssyncset.done $0x0  }
0x38: {  	s30 =	simm.s32 $0x19000;
	[sflag:s26] =	ssyncadd.s32 $0xFFFFD800  }
0x39: {  	[tilespmem:s30], [sflag:$0x2] =	stream.linear.gather [hbm4b:s10+s4], $0x2800, $0x38;
	[tilespmem:$0x1F800] =	vst v63  }
0x3a: {  	_ =	swait.ge [sflag:s26], $0x2800  }
0x3b: {  	[sflag:s26] =	ssyncset.done $0x0  }
0x3c: {  	[sflag:s26] =	ssyncadd.s32 $0xFFFFD800  }
0x3d: {  	s28 =	simm.s32 $0x0;
	[bflag:$0x0] =	sbarrier.arrive $0xFFFF  }
.LBB2_2:
0x3e: {  	s29 =	sshll.u32 s28, $0x7  }
0x3f: {  	s6 =	sadd.s32 $0x16800, s29  }
0x40: {  	[tilespmem:s25], [sflag:$0x1] =	stream.indirect.gather [hbm4b:s5+s31], $0x80, s6, s31, $0xb8;
	[tilespmem:$0x1F800] =	vst v63  }
0x41: {  	_ =	swait.ge [sflag:s1], $0x4000  }
0x42: {  	[sflag:s1] =	ssyncset.done $0x0  }
0x43: {  	s8 =	sadd.s32 $0x14000, s29;
	[sflag:s1] =	ssyncadd.s32 $0xFFFFC000  }
0x44: {  	[tilespmem:s25], [sflag:$0x1] =	stream.indirect.gather.add.f32 [hbm:s0], $0x80, s8, s31, $0xb8;
	[tilespmem:$0x1F800] =	vst v63  }
0x45: {  	_ =	swait.ge [sflag:s1], $0x4000  }
0x46: {  	[sflag:s1] =	ssyncset.done $0x0  }
0x47: {  	s30 =	simm.s32 $0x0;
	[sflag:s1] =	ssyncadd.s32 $0xFFFFC000  }
0x48: {  	v2 =	vld [tilespmem:s30+$0x1B800]  }
0x49: {  	v4 =	vld [tilespmem:s30+$0x1B810]  }
0x4a: {  	v3 =	vld [tilespmem:s30+$0x1B820]  }
0x4b: {  	v1 =	vld [tilespmem:s30+$0x1B830]  }
0x4c: {  	v0 =	vld [tilespmem:s30+$0x1B840]  }
0x4d: {  	v5 =	vmax.f32 v2, $0.0e+00;
	v2 =	vld [tilespmem:s30+$0x1B850]  }
0x4e: {  	s6 =	simm.s32 $0x200;
	[tilespmem:s30+$0x1B800] =	vst v5;
	v5 =	vmax.f32 v4, $0.0e+00;
	v4 =	vld [tilespmem:s30+$0x1B860]  }
.LBB2_3:
0x4f: {  	s8 =	sshra.s32 s6, $0x2;
	p0 =	sne.s32 s6, $0xFE00;
	[tilespmem:s30+$0x1B810] =	vst v5;
	v3 =	vmax.f32 v3, $0.0e+00;
	v5 =	vld [tilespmem:s30+$0x1B870]  }
0x50: {  	v6 =	vld [tilespmem:s8+$0x1B800];
	[tilespmem:s30+$0x1B820] =	vst v3;
	v1 =	vmax.f32 v1, $0.0e+00  }
0x51: {  	v7 =	vld [tilespmem:s8+$0x1B810];
	[tilespmem:s30+$0x1B830] =	vst v1;
	v0 =	vmax.f32 v0, $0.0e+00  }
.Ltmp0:
0x52: {  	v3 =	vld [tilespmem:s8+$0x1B820];
	[tilespmem:s30+$0x1B840] =	vst v0;
	v0 =	vmax.f32 v2, $0.0e+00;
	(pc) =	sbr.rel @p0 .LBB2_3-.Ltmp0, $4  }
0x53: {  	v1 =	vld [tilespmem:s8+$0x1B830];
	[tilespmem:s30+$0x1B850] =	vst v0;
	v2 =	vmax.f32 v4, $0.0e+00  }
0x54: {  	v0 =	vld [tilespmem:s8+$0x1B840];
	[tilespmem:s30+$0x1B860] =	vst v2;
	v4 =	vmax.f32 v5, $0.0e+00  }
0x55: {  	v5 =	vmax.f32 v6, $0.0e+00;
	v2 =	vld [tilespmem:s8+$0x1B850];
	[tilespmem:s30+$0x1B870] =	vst v4;
	s30 =	smov.u32 s8  }
0x56: {  	s6 =	sadd.s32 $0x200, s6;
	[tilespmem:s30+$0x1B800] =	vst v5;
	v5 =	vmax.f32 v7, $0.0e+00;
	v4 =	vld [tilespmem:s30+$0x1B860]  }
0x57: {  	[tilespmem:s30+$0x1B810] =	vst v5;
	v3 =	vmax.f32 v3, $0.0e+00;
	v60 =	vld [tilespmem:s30+$0x1B870]  }
0x58: {  	[tilespmem:s30+$0x1B820] =	vst v3;
	v1 =	vmax.f32 v1, $0.0e+00  }
0x59: {  	[tilespmem:s30+$0x1B830] =	vst v1;
	v0 =	vmax.f32 v0, $0.0e+00  }
0x5a: {  	[tilespmem:s30+$0x1B840] =	vst v0;
	v61 =	vmax.f32 v2, $0.0e+00  }
0x5b: {  	s28 =	sadd.s32 $0x1, s28;
	[tilespmem:s30+$0x1B850] =	vst v61;
	v62 =	vmax.f32 v4, $0.0e+00  }
0x5c: {  	p0 =	sne.s32 s28, $0x50;
	[tilespmem:s30+$0x1B860] =	vst v62;
	v63 =	vmax.f32 v60, $0.0e+00  }
.Ltmp1:
0x5d: {  	s6 =	sadd.s32 $0x19000, s29;
	[tilespmem:s30+$0x1B870] =	vst v63;
	(pc) =	sbr.rel @p0 .LBB2_2-.Ltmp1, $4  }
0x5e: {  	[spmem:s3] =	stream.indirect.scatter.add.f32 [tilespmem:s25], [sflag:$0x2], $0x80, s6, s31, $0xb8;
	[tilespmem:$0x1F800] =	vst v63  }
0x5f: {  	_ =	swait.ge [sflag:s26], $0x4000  }
0x60: {  	[sflag:s26] =	ssyncset.done $0x0  }
0x61: {  	[sflag:s26] =	ssyncadd.s32 $0xFFFFC000  }
0x62: {  	[bflag:$0x0] =	sbarrier.arrive $0xFFFF  }
0x63: {  	[tilespmem:s25], [sflag:$0x2] =	stream.linear.gather [spmem:s7], $0x4000, $0x38;
	[tilespmem:$0x1F800] =	vst v63  }
0x64: {  	_ =	swait.ge [sflag:s26], $0x4000  }
0x65: {  	[sflag:s26] =	ssyncset.done $0x0  }
0x66: {  	[sflag:s26] =	ssyncadd.s32 $0xFFFFC000  }
0x67: {  	[hbm4b:s16+s4] =	stream.linear.scatter [tilespmem:s25], [sflag:$0x2], $0x4000, $0x38;
	[tilespmem:$0x1F800] =	vst v63  }
0x68: {  	_ =	swait.ge [sflag:s26], $0x4000  }
0x69: {  	[sflag:s26] =	ssyncset.done $0x0  }
0x6a: {  	[sflag:s26] =	ssyncadd.s32 $0xFFFFC000  }
0x6b: {  	[tilespmem:s25], [sflag:$0x2] =	stream.linear.gather [spmem:s17], $0x4000, $0x38;
	[tilespmem:$0x1F800] =	vst v63  }
0x6c: {  	_ =	swait.ge [sflag:s26], $0x4000  }
0x6d: {  	[sflag:s26] =	ssyncset.done $0x0  }
0x6e: {  	[sflag:s26] =	ssyncadd.s32 $0xFFFFC000  }
0x6f: {  	[hbm4b:s18+s4] =	stream.linear.scatter [tilespmem:s25], [sflag:$0x2], $0x4000, $0x38;
	[tilespmem:$0x1F800] =	vst v63  }
0x70: {  	_ =	swait.ge [sflag:s26], $0x4000  }
0x71: {  	[sflag:s26] =	ssyncset.done $0x0  }
0x72: {  	[sflag:s26] =	ssyncadd.s32 $0xFFFFC000  }
0x73: {  	[tilespmem:s25], [sflag:$0x2] =	stream.linear.gather [spmem:s19], $0x4000, $0x38;
	[tilespmem:$0x1F800] =	vst v63  }
0x74: {  	_ =	swait.ge [sflag:s26], $0x4000  }
0x75: {  	[sflag:s26] =	ssyncset.done $0x0  }
0x76: {  	[sflag:s26] =	ssyncadd.s32 $0xFFFFC000  }
0x77: {  	[hbm4b:s20+s4] =	stream.linear.scatter [tilespmem:s25], [sflag:$0x2], $0x4000, $0x38;
	[tilespmem:$0x1F800] =	vst v63  }
0x78: {  	_ =	swait.ge [sflag:s26], $0x4000  }
0x79: {  	[sflag:s26] =	ssyncset.done $0x0  }
0x7a: {  	[sflag:s26] =	ssyncadd.s32 $0xFFFFC000  }
0x7b: {  	[tilespmem:s25], [sflag:$0x2] =	stream.linear.gather [spmem:s21], $0x4000, $0x38;
	[tilespmem:$0x1F800] =	vst v63  }
0x7c: {  	_ =	swait.ge [sflag:s26], $0x4000  }
0x7d: {  	[sflag:s26] =	ssyncset.done $0x0  }
0x7e: {  	[sflag:s26] =	ssyncadd.s32 $0xFFFFC000  }
0x7f: {  	[hbm4b:s22+s4] =	stream.linear.scatter [tilespmem:s25], [sflag:$0x2], $0x4000, $0x38;
	[tilespmem:$0x1F800] =	vst v63  }
0x80: {  	_ =	swait.ge [sflag:s26], $0x4000  }
0x81: {  	[sflag:s26] =	ssyncset.done $0x0  }
0x82: {  	[sflag:s26] =	ssyncadd.s32 $0xFFFFC000  }
0x83: {  	[tilespmem:s25], [sflag:$0x2] =	stream.linear.gather [spmem:s23], $0x4000, $0x38;
	[tilespmem:$0x1F800] =	vst v63  }
0x84: {  	s2 =	sadd.s32 $0x1, s2;
	_ =	swait.ge [sflag:s26], $0x4000  }
0x85: {  	p0 =	sne.s32 s2, s11;
	[sflag:s26] =	ssyncset.done $0x0  }
.Ltmp2:
0x86: {  	[sflag:s26] =	ssyncadd.s32 $0xFFFFC000;
	(pc) =	sbr.rel @p0 .LBB2_1-.Ltmp2, $4  }
0x87: {  	[hbm4b:s24+s4] =	stream.linear.scatter [tilespmem:s25], [sflag:$0x2], $0x4000, $0x38;
	[tilespmem:$0x1F800] =	vst v63  }
0x88: {  	_ =	swait.ge [sflag:s26], $0x4000  }
0x89: {  	[sflag:s26] =	ssyncset.done $0x0  }
0x8a: {  	[sflag:s26] =	ssyncadd.s32 $0xFFFFC000  }
0x8b: {  	_ =	sfence.sel $0x180000  }
0x8c: {  	[bflag:$0x0] =	sbarrier.arrive $0xFFFF  }
0x8d: {  	_ =	strace $0x90000047  }
0x8e: {  	s0 =	stileid.u32;
	[bflag:$0x2] =	sbarrier.arrive $0xFFFF  }
0x8f: {  	p0 =	sne.s32 s0, $0x0;
	s0 =	rddreg [dreg:$0x3]  }
0x90: {  	s0 =	sadd.s32 @!p0 $0x100000, s0  }
0x91: {  	[sflag:s0] =	ssyncadd.tile.s32 @!p0 $0x1;
	_ =	shalt  }
.Lfunc_end2:
_tile_overlayer_lowered:
.L_overlay_start_2:
0x92: {  	(tag) =	ssettag $0x2  }
0x93: {  	s0 =	rddreg [dreg:$0x0];
	s2 =	stileid.u32  }
0x94: {  	s1 =	rddreg [dreg:$0x1];
	p0 =	sne.s32 s2, $0x0  }
0x95: {  	s3 =	rddreg [dreg:$0x2];
	[bflag:$0x3] =	sbarrier.arrive $0xFFFF;
	s2 =	simm.s32 @!p0 $0x1C02  }
0x96: {  	[timem:s3], [sflag:s2] =	dma.local @!p0 [hbm:s0], s1  }
0x97: {  	s0 =	simm.s32 @!p0 $0x2  }
0x98: {  	_ =	swait.ge @!p0 [sflag:s0], s1  }
0x99: {  	s1 =	ssub.s32 @!p0 $0x0, s1;
	[sflag:s0] =	ssyncset.done @!p0 $0x0  }
0x9a: {  	[sflag:s0] =	ssyncadd.s32 @!p0 s1  }
0x9b: {  	[bflag:$0x3] =	sbarrier.arrive $0xFFFF  }
0x9c: {  	_ =	shalt  }

</sc_bundles>
